<compile_context>
chip_gen: v7x
topology: tpu7x:2x2x1
jax: 0.10.2.dev20260603
libtpu: 0.0.44.dev20260713+nightly
codegen_flags: <defaults>
</compile_context>

<pallas_src>
import jax
import jax.numpy as jnp
from jax import lax
from jax.experimental import pallas as pl
from jax.experimental.pallas import tpu as pltpu
from jax.experimental.pallas import tpu_sc as plsc

_NUM_CLASSES = 1000
_BATCH = 16384
_NC = 2
_NS = 16
_L = 16
_NW = _NC * _NS
_COLS_PER_W = _BATCH // _NW
_CHUNK = 40
_NCHUNK = _NUM_CLASSES // _CHUNK


def _onehot_t_body(c_hbm, out_hbm, idx_v, buf0, buf1, sem0, sem1):
    wid = lax.axis_index("s") * _NC + lax.axis_index("c")
    col0 = wid * _COLS_PER_W

    pltpu.sync_copy(c_hbm.at[pl.ds(col0, _COLS_PER_W)], idx_v)

    zeros16 = jnp.zeros((_L,), jnp.float32)
    ones16 = jnp.ones((_L,), jnp.float32)
    iota16 = lax.iota(jnp.int32, _L)

    def _zero_fill(buf, r0, r1):
        def body(row, _):
            for off in range(0, _COLS_PER_W, _L):
                buf[row, pl.ds(off, _L)] = zeros16
            return 0

        lax.fori_loop(r0, r1, body, 0)

    def _scan_chunk(buf, span, prev_span):
        def body(i, _):
            off = pl.multiple_of(i * _L, _L)
            cls = idx_v[pl.ds(off, _L)]
            lcol = iota16 + off
            if prev_span is not None:
                p0, p1 = prev_span
                maskp = (cls >= p0) & (cls < p1)
                lrowp = jnp.where(maskp, cls - p0, 0)
                plsc.store_scatter(buf, [lrowp, lcol], zeros16, mask=maskp)
            c0, c1 = span
            mask = (cls >= c0) & (cls < c1)
            lrow = jnp.where(mask, cls - c0, 0)
            plsc.store_scatter(buf, [lrow, lcol], ones16, mask=mask)
            return 0

        lax.fori_loop(0, _COLS_PER_W // _L, body, 0)

    bufs = (buf0, buf1)
    sems = (sem0, sem1)

    def _dst(c0):
        return out_hbm.at[pl.ds(c0, _CHUNK), pl.ds(col0, _COLS_PER_W)]

    for b in range(2):
        c0 = b * _CHUNK
        _zero_fill(bufs[b], 0, _CHUNK)
        _scan_chunk(bufs[b], (c0, c0 + _CHUNK), None)
        pltpu.async_copy(bufs[b], _dst(c0), sems[b])

    def _pair(i, _):
        for b in range(2):
            c0 = pl.multiple_of((2 * i + 2 + b) * _CHUNK, 8)
            p0 = c0 - 2 * _CHUNK
            pltpu.make_async_copy(bufs[b], _dst(c0), sems[b]).wait()
            _scan_chunk(bufs[b], (c0, c0 + _CHUNK), (p0, p0 + _CHUNK))
            pltpu.async_copy(bufs[b], _dst(c0), sems[b])
        return 0

    lax.fori_loop(0, (_NCHUNK - 3) // 2, _pair, 0)

    c0 = (_NCHUNK - 1) * _CHUNK
    p0 = c0 - 2 * _CHUNK
    pltpu.make_async_copy(bufs[0], _dst(c0), sems[0]).wait()
    _scan_chunk(bufs[0], (c0, c0 + _CHUNK), (p0, p0 + _CHUNK))
    pltpu.async_copy(bufs[0], _dst(c0), sems[0])
    pltpu.make_async_copy(bufs[1], _dst(c0 - _CHUNK), sems[1]).wait()
    pltpu.make_async_copy(bufs[0], _dst(c0), sems[0]).wait()


@jax.jit
def kernel(c):
    c = c.astype(jnp.int32)
    mesh = plsc.VectorSubcoreMesh(core_axis_name="c", subcore_axis_name="s")
    run = pl.kernel(
        _onehot_t_body,
        out_type=jax.ShapeDtypeStruct((_NUM_CLASSES, _BATCH), jnp.float32),
        mesh=mesh,
        scratch_types=[
            pltpu.VMEM((_COLS_PER_W,), jnp.int32),
            pltpu.VMEM((_CHUNK, _COLS_PER_W), jnp.float32),
            pltpu.VMEM((_CHUNK, _COLS_PER_W), jnp.float32),
            pltpu.SemaphoreType.DMA,
            pltpu.SemaphoreType.DMA,
        ],
        compiler_params=pltpu.CompilerParams(needs_layout_passes=False),
    )
    return run(c).T

# --- scband reference (transcript-rebuilt; emitter-appended) ---
"""Pipeline reference for scband-class-embedding-block-76879914599096 (READ-ONLY COPY).

The authoritative reference and input builder live on the scoring server;
editing this copy changes nothing except your own understanding.
"""

import jax, jax.numpy as jnp
import numpy as np

NUM_CLASSES = 1000
PROB = 0.9
BATCH = 16384

def setup_inputs(seed: int = 0) -> dict:
    key = jax.random.key(seed)
    c = jax.random.randint(key, (BATCH,), 0, NUM_CLASSES, dtype=jnp.int64 if jax.config.jax_enable_x64 else jnp.int32)
    return {"c": c}

def reference(c) -> jnp.ndarray:
    # Faithful translation of ClassEmbeddingBlock.forward in eval mode
    # (self.training == False), where the bernoulli mask is all ones.
    encoded_classes = jax.nn.one_hot(c, NUM_CLASSES, dtype=jnp.float32)
    bernoulli_mask = jnp.ones_like(encoded_classes, dtype=jnp.float32)
    return bernoulli_mask * encoded_classes

if __name__ == "__main__":
    import jax
    _d = setup_inputs()
    print(jax.jit(kernel)(*tuple(_d.values())))

</pallas_src>

<mosaic_0001>
#map = affine_map<(d0, d1) -> (0)>
#map1 = affine_map<(d0, d1) -> (0, 0)>
module attributes {stable_mosaic.version = 14 : i64} {
  func.func @_onehot_t_body(%arg0: i32, %arg1: i32, %arg2: memref<16384xi32, #tpu.memory_space<hbm>>, %arg3: memref<1000x16384xf32, #tpu.memory_space<hbm>>, %arg4: memref<512xi32, #tpu.memory_space<vmem>>, %arg5: memref<40x512xf32, #tpu.memory_space<vmem>>, %arg6: memref<40x512xf32, #tpu.memory_space<vmem>>, %arg7: memref<!tpu.dma_semaphore, #tpu.memory_space<semaphore_mem>>, %arg8: memref<!tpu.dma_semaphore, #tpu.memory_space<semaphore_mem>>) attributes {dimension_semantics = [#tpu.dimension_semantics<core_parallel>, #tpu.dimension_semantics<subcore_parallel>], iteration_bounds = array<i64: 2, 16>, scalar_prefetch = 0 : i64, scratch_operands = 5 : i64, tpu.core_type = #tpu.core_type<sc_vector_subcore>, window_params = [{transform_indices = #map}, {transform_indices = #map1}]} {
    %mul3A = arith.constant 2 : i32
    %mul3A_0 = arith.muli %arg1, %mul3A : i32
    %add3A = arith.addi %mul3A_0, %arg0 : i32
    %mul3A_1 = arith.constant 512 : i32
    %mul3A_2 = arith.muli %add3A, %mul3A_1 : i32
    "tpu.region"() ({
      %run_scoped3A = tpu.sem_alloc : memref<!tpu.dma_semaphore, #tpu.memory_space<semaphore_mem>>
      %dma_start3A_69 = tpu.memref_slice %arg2[%mul3A_2] : memref<16384xi32, #tpu.memory_space<hbm>> -> memref<512xi32, #tpu.memory_space<hbm>>
      %dma_start3A_70 = tpu.memref_slice %arg2[%mul3A_2] : memref<16384xi32, #tpu.memory_space<hbm>> -> memref<512xi32, #tpu.memory_space<hbm>>
      tpu.enqueue_dma source(%dma_start3A_70 : memref<512xi32, #tpu.memory_space<hbm>>) target(%arg4 : memref<512xi32, #tpu.memory_space<vmem>>) target_semaphore(%run_scoped3A : memref<!tpu.dma_semaphore, #tpu.memory_space<semaphore_mem>>)
      %dma_wait3A_71 = tpu.memref_slice %arg2[%mul3A_2] : memref<16384xi32, #tpu.memory_space<hbm>> -> memref<512xi32, #tpu.memory_space<hbm>>
      %dma_wait3A_72 = tpu.memref_slice %arg2[%mul3A_2] : memref<16384xi32, #tpu.memory_space<hbm>> -> memref<512xi32, #tpu.memory_space<hbm>>
      tpu.wait_dma2 semaphore(%run_scoped3A : memref<!tpu.dma_semaphore, #tpu.memory_space<semaphore_mem>>) src(%dma_wait3A_72 : memref<512xi32, #tpu.memory_space<hbm>>) dst(%arg4 : memref<512xi32, #tpu.memory_space<vmem>>)
      tpu.yield
    }) : () -> ()
    %broadcast_in_dim3A = arith.constant 0.000000e+00 : f32
    %broadcast_in_dim3A_3 = vector.broadcast %broadcast_in_dim3A : f32 to vector<16xf32>
    %broadcast_in_dim3A_4 = arith.constant 1.000000e+00 : f32
    %broadcast_in_dim3A_5 = vector.broadcast %broadcast_in_dim3A_4 : f32 to vector<16xf32>
    %iota3A = tpu.iota {dimensions = array<i32: 0>} : vector<16xi32>
    %scan3A = arith.constant 0 : i32
    %scan3A_6 = arith.constant 0 : i32
    %scan3A_7 = arith.constant 40 : i32
    %scan3A_8 = arith.addi %scan3A_6, %scan3A_7 : i32
    %scan3A_9 = arith.constant 1 : i32
    %scan3A_10 = scf.for %scan3A_69 = %scan3A_6 to %scan3A_8 step %scan3A_9 iter_args(%scan3A_70 = %scan3A) -> (i32)  : i32 {
      %swap3A = arith.index_cast %scan3A_69 : i32 to index
      %swap3A_71 = arith.constant 0 : index
      %swap3A_72 = tpu.vector_load %arg5[%swap3A, %swap3A_71] {strides = array<i32>} : memref<40x512xf32, #tpu.memory_space<vmem>>, vector<16xf32>,
      tpu.vector_store %arg5[%swap3A, %swap3A_71], %broadcast_in_dim3A_3 {strides = array<i32>} : memref<40x512xf32, #tpu.memory_space<vmem>>, vector<16xf32>,
      %swap3A_73 = arith.index_cast %scan3A_69 : i32 to index
      %swap3A_74 = arith.constant 16 : index
      %swap3A_75 = tpu.vector_load %arg5[%swap3A_73, %swap3A_74] {strides = array<i32>} : memref<40x512xf32, #tpu.memory_space<vmem>>, vector<16xf32>,
      tpu.vector_store %arg5[%swap3A_73, %swap3A_74], %broadcast_in_dim3A_3 {strides = array<i32>} : memref<40x512xf32, #tpu.memory_space<vmem>>, vector<16xf32>,
      %swap3A_76 = arith.index_cast %scan3A_69 : i32 to index
      %swap3A_77 = arith.constant 32 : index
      %swap3A_78 = tpu.vector_load %arg5[%swap3A_76, %swap3A_77] {strides = array<i32>} : memref<40x512xf32, #tpu.memory_space<vmem>>, vector<16xf32>,
      tpu.vector_store %arg5[%swap3A_76, %swap3A_77], %broadcast_in_dim3A_3 {strides = array<i32>} : memref<40x512xf32, #tpu.memory_space<vmem>>, vector<16xf32>,
      %swap3A_79 = arith.index_cast %scan3A_69 : i32 to index
      %swap3A_80 = arith.constant 48 : index
      %swap3A_81 = tpu.vector_load %arg5[%swap3A_79, %swap3A_80] {strides = array<i32>} : memref<40x512xf32, #tpu.memory_space<vmem>>, vector<16xf32>,
      tpu.vector_store %arg5[%swap3A_79, %swap3A_80], %broadcast_in_dim3A_3 {strides = array<i32>} : memref<40x512xf32, #tpu.memory_space<vmem>>, vector<16xf32>,
      %swap3A_82 = arith.index_cast %scan3A_69 : i32 to index
      %swap3A_83 = arith.constant 64 : index
      %swap3A_84 = tpu.vector_load %arg5[%swap3A_82, %swap3A_83] {strides = array<i32>} : memref<40x512xf32, #tpu.memory_space<vmem>>, vector<16xf32>,
      tpu.vector_store %arg5[%swap3A_82, %swap3A_83], %broadcast_in_dim3A_3 {strides = array<i32>} : memref<40x512xf32, #tpu.memory_space<vmem>>, vector<16xf32>,
      %swap3A_85 = arith.index_cast %scan3A_69 : i32 to index
      %swap3A_86 = arith.constant 80 : index
      %swap3A_87 = tpu.vector_load %arg5[%swap3A_85, %swap3A_86] {strides = array<i32>} : memref<40x512xf32, #tpu.memory_space<vmem>>, vector<16xf32>,
      tpu.vector_store %arg5[%swap3A_85, %swap3A_86], %broadcast_in_dim3A_3 {strides = array<i32>} : memref<40x512xf32, #tpu.memory_space<vmem>>, vector<16xf32>,
      %swap3A_88 = arith.index_cast %scan3A_69 : i32 to index
      %swap3A_89 = arith.constant 96 : index
      %swap3A_90 = tpu.vector_load %arg5[%swap3A_88, %swap3A_89] {strides = array<i32>} : memref<40x512xf32, #tpu.memory_space<vmem>>, vector<16xf32>,
      tpu.vector_store %arg5[%swap3A_88, %swap3A_89], %broadcast_in_dim3A_3 {strides = array<i32>} : memref<40x512xf32, #tpu.memory_space<vmem>>, vector<16xf32>,
      %swap3A_91 = arith.index_cast %scan3A_69 : i32 to index
      %swap3A_92 = arith.constant 112 : index
      %swap3A_93 = tpu.vector_load %arg5[%swap3A_91, %swap3A_92] {strides = array<i32>} : memref<40x512xf32, #tpu.memory_space<vmem>>, vector<16xf32>,
      tpu.vector_store %arg5[%swap3A_91, %swap3A_92], %broadcast_in_dim3A_3 {strides = array<i32>} : memref<40x512xf32, #tpu.memory_space<vmem>>, vector<16xf32>,
      %swap3A_94 = arith.index_cast %scan3A_69 : i32 to index
      %swap3A_95 = arith.constant 128 : index
      %swap3A_96 = tpu.vector_load %arg5[%swap3A_94, %swap3A_95] {strides = array<i32>} : memref<40x512xf32, #tpu.memory_space<vmem>>, vector<16xf32>,
      tpu.vector_store %arg5[%swap3A_94, %swap3A_95], %broadcast_in_dim3A_3 {strides = array<i32>} : memref<40x512xf32, #tpu.memory_space<vmem>>, vector<16xf32>,
      %swap3A_97 = arith.index_cast %scan3A_69 : i32 to index
      %swap3A_98 = arith.constant 144 : index
      %swap3A_99 = tpu.vector_load %arg5[%swap3A_97, %swap3A_98] {strides = array<i32>} : memref<40x512xf32, #tpu.memory_space<vmem>>, vector<16xf32>,
      tpu.vector_store %arg5[%swap3A_97, %swap3A_98], %broadcast_in_dim3A_3 {strides = array<i32>} : memref<40x512xf32, #tpu.memory_space<vmem>>, vector<16xf32>,
      %swap3A_100 = arith.index_cast %scan3A_69 : i32 to index
      %swap3A_101 = arith.constant 160 : index
      %swap3A_102 = tpu.vector_load %arg5[%swap3A_100, %swap3A_101] {strides = array<i32>} : memref<40x512xf32, #tpu.memory_space<vmem>>, vector<16xf32>,
      tpu.vector_store %arg5[%swap3A_100, %swap3A_101], %broadcast_in_dim3A_3 {strides = array<i32>} : memref<40x512xf32, #tpu.memory_space<vmem>>, vector<16xf32>,
      %swap3A_103 = arith.index_cast %scan3A_69 : i32 to index
      %swap3A_104 = arith.constant 176 : index
      %swap3A_105 = tpu.vector_load %arg5[%swap3A_103, %swap3A_104] {strides = array<i32>} : memref<40x512xf32, #tpu.memory_space<vmem>>, vector<16xf32>,
      tpu.vector_store %arg5[%swap3A_103, %swap3A_104], %broadcast_in_dim3A_3 {strides = array<i32>} : memref<40x512xf32, #tpu.memory_space<vmem>>, vector<16xf32>,
      %swap3A_106 = arith.index_cast %scan3A_69 : i32 to index
      %swap3A_107 = arith.constant 192 : index
      %swap3A_108 = tpu.vector_load %arg5[%swap3A_106, %swap3A_107] {strides = array<i32>} : memref<40x512xf32, #tpu.memory_space<vmem>>, vector<16xf32>,
      tpu.vector_store %arg5[%swap3A_106, %swap3A_107], %broadcast_in_dim3A_3 {strides = array<i32>} : memref<40x512xf32, #tpu.memory_space<vmem>>, vector<16xf32>,
      %swap3A_109 = arith.index_cast %scan3A_69 : i32 to index
      %swap3A_110 = arith.constant 208 : index
      %swap3A_111 = tpu.vector_load %arg5[%swap3A_109, %swap3A_110] {strides = array<i32>} : memref<40x512xf32, #tpu.memory_space<vmem>>, vector<16xf32>,
      tpu.vector_store %arg5[%swap3A_109, %swap3A_110], %broadcast_in_dim3A_3 {strides = array<i32>} : memref<40x512xf32, #tpu.memory_space<vmem>>, vector<16xf32>,
      %swap3A_112 = arith.index_cast %scan3A_69 : i32 to index
      %swap3A_113 = arith.constant 224 : index
      %swap3A_114 = tpu.vector_load %arg5[%swap3A_112, %swap3A_113] {strides = array<i32>} : memref<40x512xf32, #tpu.memory_space<vmem>>, vector<16xf32>,
      tpu.vector_store %arg5[%swap3A_112, %swap3A_113], %broadcast_in_dim3A_3 {strides = array<i32>} : memref<40x512xf32, #tpu.memory_space<vmem>>, vector<16xf32>,
      %swap3A_115 = arith.index_cast %scan3A_69 : i32 to index
      %swap3A_116 = arith.constant 240 : index
      %swap3A_117 = tpu.vector_load %arg5[%swap3A_115, %swap3A_116] {strides = array<i32>} : memref<40x512xf32, #tpu.memory_space<vmem>>, vector<16xf32>,
      tpu.vector_store %arg5[%swap3A_115, %swap3A_116], %broadcast_in_dim3A_3 {strides = array<i32>} : memref<40x512xf32, #tpu.memory_space<vmem>>, vector<16xf32>,
      %swap3A_118 = arith.index_cast %scan3A_69 : i32 to index
      %swap3A_119 = arith.constant 256 : index
      %swap3A_120 = tpu.vector_load %arg5[%swap3A_118, %swap3A_119] {strides = array<i32>} : memref<40x512xf32, #tpu.memory_space<vmem>>, vector<16xf32>,
      tpu.vector_store %arg5[%swap3A_118, %swap3A_119], %broadcast_in_dim3A_3 {strides = array<i32>} : memref<40x512xf32, #tpu.memory_space<vmem>>, vector<16xf32>,
      %swap3A_121 = arith.index_cast %scan3A_69 : i32 to index
      %swap3A_122 = arith.constant 272 : index
      %swap3A_123 = tpu.vector_load %arg5[%swap3A_121, %swap3A_122] {strides = array<i32>} : memref<40x512xf32, #tpu.memory_space<vmem>>, vector<16xf32>,
      tpu.vector_store %arg5[%swap3A_121, %swap3A_122], %broadcast_in_dim3A_3 {strides = array<i32>} : memref<40x512xf32, #tpu.memory_space<vmem>>, vector<16xf32>,
      %swap3A_124 = arith.index_cast %scan3A_69 : i32 to index
      %swap3A_125 = arith.constant 288 : index
      %swap3A_126 = tpu.vector_load %arg5[%swap3A_124, %swap3A_125] {strides = array<i32>} : memref<40x512xf32, #tpu.memory_space<vmem>>, vector<16xf32>,
      tpu.vector_store %arg5[%swap3A_124, %swap3A_125], %broadcast_in_dim3A_3 {strides = array<i32>} : memref<40x512xf32, #tpu.memory_space<vmem>>, vector<16xf32>,
      %swap3A_127 = arith.index_cast %scan3A_69 : i32 to index
      %swap3A_128 = arith.constant 304 : index
      %swap3A_129 = tpu.vector_load %arg5[%swap3A_127, %swap3A_128] {strides = array<i32>} : memref<40x512xf32, #tpu.memory_space<vmem>>, vector<16xf32>,
      tpu.vector_store %arg5[%swap3A_127, %swap3A_128], %broadcast_in_dim3A_3 {strides = array<i32>} : memref<40x512xf32, #tpu.memory_space<vmem>>, vector<16xf32>,
      %swap3A_130 = arith.index_cast %scan3A_69 : i32 to index
      %swap3A_131 = arith.constant 320 : index
      %swap3A_132 = tpu.vector_load %arg5[%swap3A_130, %swap3A_131] {strides = array<i32>} : memref<40x512xf32, #tpu.memory_space<vmem>>, vector<16xf32>,
      tpu.vector_store %arg5[%swap3A_130, %swap3A_131], %broadcast_in_dim3A_3 {strides = array<i32>} : memref<40x512xf32, #tpu.memory_space<vmem>>, vector<16xf32>,
      %swap3A_133 = arith.index_cast %scan3A_69 : i32 to index
      %swap3A_134 = arith.constant 336 : index
      %swap3A_135 = tpu.vector_load %arg5[%swap3A_133, %swap3A_134] {strides = array<i32>} : memref<40x512xf32, #tpu.memory_space<vmem>>, vector<16xf32>,
      tpu.vector_store %arg5[%swap3A_133, %swap3A_134], %broadcast_in_dim3A_3 {strides = array<i32>} : memref<40x512xf32, #tpu.memory_space<vmem>>, vector<16xf32>,
      %swap3A_136 = arith.index_cast %scan3A_69 : i32 to index
      %swap3A_137 = arith.constant 352 : index
      %swap3A_138 = tpu.vector_load %arg5[%swap3A_136, %swap3A_137] {strides = array<i32>} : memref<40x512xf32, #tpu.memory_space<vmem>>, vector<16xf32>,
      tpu.vector_store %arg5[%swap3A_136, %swap3A_137], %broadcast_in_dim3A_3 {strides = array<i32>} : memref<40x512xf32, #tpu.memory_space<vmem>>, vector<16xf32>,
      %swap3A_139 = arith.index_cast %scan3A_69 : i32 to index
      %swap3A_140 = arith.constant 368 : index
      %swap3A_141 = tpu.vector_load %arg5[%swap3A_139, %swap3A_140] {strides = array<i32>} : memref<40x512xf32, #tpu.memory_space<vmem>>, vector<16xf32>,
      tpu.vector_store %arg5[%swap3A_139, %swap3A_140], %broadcast_in_dim3A_3 {strides = array<i32>} : memref<40x512xf32, #tpu.memory_space<vmem>>, vector<16xf32>,
      %swap3A_142 = arith.index_cast %scan3A_69 : i32 to index
      %swap3A_143 = arith.constant 384 : index
      %swap3A_144 = tpu.vector_load %arg5[%swap3A_142, %swap3A_143] {strides = array<i32>} : memref<40x512xf32, #tpu.memory_space<vmem>>, vector<16xf32>,
      tpu.vector_store %arg5[%swap3A_142, %swap3A_143], %broadcast_in_dim3A_3 {strides = array<i32>} : memref<40x512xf32, #tpu.memory_space<vmem>>, vector<16xf32>,
      %swap3A_145 = arith.index_cast %scan3A_69 : i32 to index
      %swap3A_146 = arith.constant 400 : index
      %swap3A_147 = tpu.vector_load %arg5[%swap3A_145, %swap3A_146] {strides = array<i32>} : memref<40x512xf32, #tpu.memory_space<vmem>>, vector<16xf32>,
      tpu.vector_store %arg5[%swap3A_145, %swap3A_146], %broadcast_in_dim3A_3 {strides = array<i32>} : memref<40x512xf32, #tpu.memory_space<vmem>>, vector<16xf32>,
      %swap3A_148 = arith.index_cast %scan3A_69 : i32 to index
      %swap3A_149 = arith.constant 416 : index
      %swap3A_150 = tpu.vector_load %arg5[%swap3A_148, %swap3A_149] {strides = array<i32>} : memref<40x512xf32, #tpu.memory_space<vmem>>, vector<16xf32>,
      tpu.vector_store %arg5[%swap3A_148, %swap3A_149], %broadcast_in_dim3A_3 {strides = array<i32>} : memref<40x512xf32, #tpu.memory_space<vmem>>, vector<16xf32>,
      %swap3A_151 = arith.index_cast %scan3A_69 : i32 to index
      %swap3A_152 = arith.constant 432 : index
      %swap3A_153 = tpu.vector_load %arg5[%swap3A_151, %swap3A_152] {strides = array<i32>} : memref<40x512xf32, #tpu.memory_space<vmem>>, vector<16xf32>,
      tpu.vector_store %arg5[%swap3A_151, %swap3A_152], %broadcast_in_dim3A_3 {strides = array<i32>} : memref<40x512xf32, #tpu.memory_space<vmem>>, vector<16xf32>,
      %swap3A_154 = arith.index_cast %scan3A_69 : i32 to index
      %swap3A_155 = arith.constant 448 : index
      %swap3A_156 = tpu.vector_load %arg5[%swap3A_154, %swap3A_155] {strides = array<i32>} : memref<40x512xf32, #tpu.memory_space<vmem>>, vector<16xf32>,
      tpu.vector_store %arg5[%swap3A_154, %swap3A_155], %broadcast_in_dim3A_3 {strides = array<i32>} : memref<40x512xf32, #tpu.memory_space<vmem>>, vector<16xf32>,
      %swap3A_157 = arith.index_cast %scan3A_69 : i32 to index
      %swap3A_158 = arith.constant 464 : index
      %swap3A_159 = tpu.vector_load %arg5[%swap3A_157, %swap3A_158] {strides = array<i32>} : memref<40x512xf32, #tpu.memory_space<vmem>>, vector<16xf32>,
      tpu.vector_store %arg5[%swap3A_157, %swap3A_158], %broadcast_in_dim3A_3 {strides = array<i32>} : memref<40x512xf32, #tpu.memory_space<vmem>>, vector<16xf32>,
      %swap3A_160 = arith.index_cast %scan3A_69 : i32 to index
      %swap3A_161 = arith.constant 480 : index
      %swap3A_162 = tpu.vector_load %arg5[%swap3A_160, %swap3A_161] {strides = array<i32>} : memref<40x512xf32, #tpu.memory_space<vmem>>, vector<16xf32>,
      tpu.vector_store %arg5[%swap3A_160, %swap3A_161], %broadcast_in_dim3A_3 {strides = array<i32>} : memref<40x512xf32, #tpu.memory_space<vmem>>, vector<16xf32>,
      %swap3A_163 = arith.index_cast %scan3A_69 : i32 to index
      %swap3A_164 = arith.constant 496 : index
      %swap3A_165 = tpu.vector_load %arg5[%swap3A_163, %swap3A_164] {strides = array<i32>} : memref<40x512xf32, #tpu.memory_space<vmem>>, vector<16xf32>,
      tpu.vector_store %arg5[%swap3A_163, %swap3A_164], %broadcast_in_dim3A_3 {strides = array<i32>} : memref<40x512xf32, #tpu.memory_space<vmem>>, vector<16xf32>,
      %scan3A_166 = arith.constant 0 : i32
      scf.yield %scan3A_166 : i32
    }
    %scan3A_11 = arith.constant 40 : i32
    %scan3A_12 = arith.constant 0 : i32
    %scan3A_13 = arith.constant 0 : i32
    %scan3A_14 = arith.constant 32 : i32
    %scan3A_15 = arith.addi %scan3A_13, %scan3A_14 : i32
    %scan3A_16 = arith.constant 1 : i32
    %scan3A_17 = scf.for %scan3A_69 = %scan3A_13 to %scan3A_15 step %scan3A_16 iter_args(%scan3A_70 = %scan3A_12) -> (i32)  : i32 {
      %mul3A_71 = arith.constant 16 : i32
      %mul3A_72 = arith.muli %scan3A_69, %mul3A_71 : i32
      %multiple_of3A = tpu.assume_multiple %mul3A_72, 16 : i32
      %get3A = arith.index_cast %multiple_of3A : i32 to index
      %get3A_73 = tpu.vector_load %arg4[%get3A] {strides = array<i32>} : memref<512xi32, #tpu.memory_space<vmem>>, vector<16xi32>,
      %add3A_74 = vector.broadcast %multiple_of3A : i32 to vector<16xi32>
      %add3A_75 = arith.addi %iota3A, %add3A_74 : vector<16xi32>
      %ge3A = arith.constant 0 : i32
      %ge3A_76 = vector.broadcast %ge3A : i32 to vector<16xi32>
      %ge3A_77 = arith.cmpi sge, %get3A_73, %ge3A_76 : vector<16xi32>
      %lt3A = arith.constant 40 : i32
      %lt3A_78 = vector.broadcast %lt3A : i32 to vector<16xi32>
      %lt3A_79 = arith.cmpi slt, %get3A_73, %lt3A_78 : vector<16xi32>
      %and3A = arith.andi %ge3A_77, %lt3A_79 : vector<16xi1>
      %sub3A = arith.constant 0 : i32
      %sub3A_80 = vector.broadcast %sub3A : i32 to vector<16xi32>
      %sub3A_81 = arith.subi %get3A_73, %sub3A_80 : vector<16xi32>
      %jit3A = arith.constant 0 : i32
      %broadcast_in_dim3A_82 = vector.broadcast %jit3A : i32 to vector<16xi32>
      %select_n3A = arith.select %and3A, %sub3A_81, %broadcast_in_dim3A_82 : vector<16xi1>, vector<16xi32>
      tpu.vector_store_idx %arg5[%select_n3A, %add3A_75], %broadcast_in_dim3A_5 masked %and3A : memref<40x512xf32, #tpu.memory_space<vmem>>[vector<16xi32>, vector<16xi32>], vector<16xf32>, vector<16xi1>
      %scan3A_83 = arith.constant 0 : i32
      scf.yield %scan3A_83 : i32
    }
    %scan3A_18 = arith.constant 32 : i32
    %dma_start3A = arith.constant 0 : i32
    %dma_start3A_19 = tpu.memref_slice %arg3[%dma_start3A, %mul3A_2] : memref<1000x16384xf32, #tpu.memory_space<hbm>> -> memref<40x512xf32, #tpu.memory_space<hbm>>
    %dma_start3A_20 = arith.constant 0 : i32
    %dma_start3A_21 = tpu.memref_slice %arg3[%dma_start3A_20, %mul3A_2] : memref<1000x16384xf32, #tpu.memory_space<hbm>> -> memref<40x512xf32, #tpu.memory_space<hbm>>
    tpu.enqueue_dma source(%arg5 : memref<40x512xf32, #tpu.memory_space<vmem>>) target(%dma_start3A_21 : memref<40x512xf32, #tpu.memory_space<hbm>>) target_semaphore(%arg7 : memref<!tpu.dma_semaphore, #tpu.memory_space<semaphore_mem>>)
    %scan3A_22 = arith.constant 0 : i32
    %scan3A_23 = arith.constant 0 : i32
    %scan3A_24 = arith.constant 40 : i32
    %scan3A_25 = arith.addi %scan3A_23, %scan3A_24 : i32
    %scan3A_26 = arith.constant 1 : i32
    %scan3A_27 = scf.for %scan3A_69 = %scan3A_23 to %scan3A_25 step %scan3A_26 iter_args(%scan3A_70 = %scan3A_22) -> (i32)  : i32 {
      %swap3A = arith.index_cast %scan3A_69 : i32 to index
      %swap3A_71 = arith.constant 0 : index
      %swap3A_72 = tpu.vector_load %arg6[%swap3A, %swap3A_71] {strides = array<i32>} : memref<40x512xf32, #tpu.memory_space<vmem>>, vector<16xf32>,
      tpu.vector_store %arg6[%swap3A, %swap3A_71], %broadcast_in_dim3A_3 {strides = array<i32>} : memref<40x512xf32, #tpu.memory_space<vmem>>, vector<16xf32>,
      %swap3A_73 = arith.index_cast %scan3A_69 : i32 to index
      %swap3A_74 = arith.constant 16 : index
      %swap3A_75 = tpu.vector_load %arg6[%swap3A_73, %swap3A_74] {strides = array<i32>} : memref<40x512xf32, #tpu.memory_space<vmem>>, vector<16xf32>,
      tpu.vector_store %arg6[%swap3A_73, %swap3A_74], %broadcast_in_dim3A_3 {strides = array<i32>} : memref<40x512xf32, #tpu.memory_space<vmem>>, vector<16xf32>,
      %swap3A_76 = arith.index_cast %scan3A_69 : i32 to index
      %swap3A_77 = arith.constant 32 : index
      %swap3A_78 = tpu.vector_load %arg6[%swap3A_76, %swap3A_77] {strides = array<i32>} : memref<40x512xf32, #tpu.memory_space<vmem>>, vector<16xf32>,
      tpu.vector_store %arg6[%swap3A_76, %swap3A_77], %broadcast_in_dim3A_3 {strides = array<i32>} : memref<40x512xf32, #tpu.memory_space<vmem>>, vector<16xf32>,
      %swap3A_79 = arith.index_cast %scan3A_69 : i32 to index
      %swap3A_80 = arith.constant 48 : index
      %swap3A_81 = tpu.vector_load %arg6[%swap3A_79, %swap3A_80] {strides = array<i32>} : memref<40x512xf32, #tpu.memory_space<vmem>>, vector<16xf32>,
      tpu.vector_store %arg6[%swap3A_79, %swap3A_80], %broadcast_in_dim3A_3 {strides = array<i32>} : memref<40x512xf32, #tpu.memory_space<vmem>>, vector<16xf32>,
      %swap3A_82 = arith.index_cast %scan3A_69 : i32 to index
      %swap3A_83 = arith.constant 64 : index
      %swap3A_84 = tpu.vector_load %arg6[%swap3A_82, %swap3A_83] {strides = array<i32>} : memref<40x512xf32, #tpu.memory_space<vmem>>, vector<16xf32>,
      tpu.vector_store %arg6[%swap3A_82, %swap3A_83], %broadcast_in_dim3A_3 {strides = array<i32>} : memref<40x512xf32, #tpu.memory_space<vmem>>, vector<16xf32>,
      %swap3A_85 = arith.index_cast %scan3A_69 : i32 to index
      %swap3A_86 = arith.constant 80 : index
      %swap3A_87 = tpu.vector_load %arg6[%swap3A_85, %swap3A_86] {strides = array<i32>} : memref<40x512xf32, #tpu.memory_space<vmem>>, vector<16xf32>,
      tpu.vector_store %arg6[%swap3A_85, %swap3A_86], %broadcast_in_dim3A_3 {strides = array<i32>} : memref<40x512xf32, #tpu.memory_space<vmem>>, vector<16xf32>,
      %swap3A_88 = arith.index_cast %scan3A_69 : i32 to index
      %swap3A_89 = arith.constant 96 : index
      %swap3A_90 = tpu.vector_load %arg6[%swap3A_88, %swap3A_89] {strides = array<i32>} : memref<40x512xf32, #tpu.memory_space<vmem>>, vector<16xf32>,
      tpu.vector_store %arg6[%swap3A_88, %swap3A_89], %broadcast_in_dim3A_3 {strides = array<i32>} : memref<40x512xf32, #tpu.memory_space<vmem>>, vector<16xf32>,
      %swap3A_91 = arith.index_cast %scan3A_69 : i32 to index
      %swap3A_92 = arith.constant 112 : index
      %swap3A_93 = tpu.vector_load %arg6[%swap3A_91, %swap3A_92] {strides = array<i32>} : memref<40x512xf32, #tpu.memory_space<vmem>>, vector<16xf32>,
      tpu.vector_store %arg6[%swap3A_91, %swap3A_92], %broadcast_in_dim3A_3 {strides = array<i32>} : memref<40x512xf32, #tpu.memory_space<vmem>>, vector<16xf32>,
      %swap3A_94 = arith.index_cast %scan3A_69 : i32 to index
      %swap3A_95 = arith.constant 128 : index
      %swap3A_96 = tpu.vector_load %arg6[%swap3A_94, %swap3A_95] {strides = array<i32>} : memref<40x512xf32, #tpu.memory_space<vmem>>, vector<16xf32>,
      tpu.vector_store %arg6[%swap3A_94, %swap3A_95], %broadcast_in_dim3A_3 {strides = array<i32>} : memref<40x512xf32, #tpu.memory_space<vmem>>, vector<16xf32>,
      %swap3A_97 = arith.index_cast %scan3A_69 : i32 to index
      %swap3A_98 = arith.constant 144 : index
      %swap3A_99 = tpu.vector_load %arg6[%swap3A_97, %swap3A_98] {strides = array<i32>} : memref<40x512xf32, #tpu.memory_space<vmem>>, vector<16xf32>,
      tpu.vector_store %arg6[%swap3A_97, %swap3A_98], %broadcast_in_dim3A_3 {strides = array<i32>} : memref<40x512xf32, #tpu.memory_space<vmem>>, vector<16xf32>,
      %swap3A_100 = arith.index_cast %scan3A_69 : i32 to index
      %swap3A_101 = arith.constant 160 : index
      %swap3A_102 = tpu.vector_load %arg6[%swap3A_100, %swap3A_101] {strides = array<i32>} : memref<40x512xf32, #tpu.memory_space<vmem>>, vector<16xf32>,
      tpu.vector_store %arg6[%swap3A_100, %swap3A_101], %broadcast_in_dim3A_3 {strides = array<i32>} : memref<40x512xf32, #tpu.memory_space<vmem>>, vector<16xf32>,
      %swap3A_103 = arith.index_cast %scan3A_69 : i32 to index
      %swap3A_104 = arith.constant 176 : index
      %swap3A_105 = tpu.vector_load %arg6[%swap3A_103, %swap3A_104] {strides = array<i32>} : memref<40x512xf32, #tpu.memory_space<vmem>>, vector<16xf32>,
      tpu.vector_store %arg6[%swap3A_103, %swap3A_104], %broadcast_in_dim3A_3 {strides = array<i32>} : memref<40x512xf32, #tpu.memory_space<vmem>>, vector<16xf32>,
      %swap3A_106 = arith.index_cast %scan3A_69 : i32 to index
      %swap3A_107 = arith.constant 192 : index
      %swap3A_108 = tpu.vector_load %arg6[%swap3A_106, %swap3A_107] {strides = array<i32>} : memref<40x512xf32, #tpu.memory_space<vmem>>, vector<16xf32>,
      tpu.vector_store %arg6[%swap3A_106, %swap3A_107], %broadcast_in_dim3A_3 {strides = array<i32>} : memref<40x512xf32, #tpu.memory_space<vmem>>, vector<16xf32>,
      %swap3A_109 = arith.index_cast %scan3A_69 : i32 to index
      %swap3A_110 = arith.constant 208 : index
      %swap3A_111 = tpu.vector_load %arg6[%swap3A_109, %swap3A_110] {strides = array<i32>} : memref<40x512xf32, #tpu.memory_space<vmem>>, vector<16xf32>,
      tpu.vector_store %arg6[%swap3A_109, %swap3A_110], %broadcast_in_dim3A_3 {strides = array<i32>} : memref<40x512xf32, #tpu.memory_space<vmem>>, vector<16xf32>,
      %swap3A_112 = arith.index_cast %scan3A_69 : i32 to index
      %swap3A_113 = arith.constant 224 : index
      %swap3A_114 = tpu.vector_load %arg6[%swap3A_112, %swap3A_113] {strides = array<i32>} : memref<40x512xf32, #tpu.memory_space<vmem>>, vector<16xf32>,
      tpu.vector_store %arg6[%swap3A_112, %swap3A_113], %broadcast_in_dim3A_3 {strides = array<i32>} : memref<40x512xf32, #tpu.memory_space<vmem>>, vector<16xf32>,
      %swap3A_115 = arith.index_cast %scan3A_69 : i32 to index
      %swap3A_116 = arith.constant 240 : index
      %swap3A_117 = tpu.vector_load %arg6[%swap3A_115, %swap3A_116] {strides = array<i32>} : memref<40x512xf32, #tpu.memory_space<vmem>>, vector<16xf32>,
      tpu.vector_store %arg6[%swap3A_115, %swap3A_116], %broadcast_in_dim3A_3 {strides = array<i32>} : memref<40x512xf32, #tpu.memory_space<vmem>>, vector<16xf32>,
      %swap3A_118 = arith.index_cast %scan3A_69 : i32 to index
      %swap3A_119 = arith.constant 256 : index
      %swap3A_120 = tpu.vector_load %arg6[%swap3A_118, %swap3A_119] {strides = array<i32>} : memref<40x512xf32, #tpu.memory_space<vmem>>, vector<16xf32>,
      tpu.vector_store %arg6[%swap3A_118, %swap3A_119], %broadcast_in_dim3A_3 {strides = array<i32>} : memref<40x512xf32, #tpu.memory_space<vmem>>, vector<16xf32>,
      %swap3A_121 = arith.index_cast %scan3A_69 : i32 to index
      %swap3A_122 = arith.constant 272 : index
      %swap3A_123 = tpu.vector_load %arg6[%swap3A_121, %swap3A_122] {strides = array<i32>} : memref<40x512xf32, #tpu.memory_space<vmem>>, vector<16xf32>,
      tpu.vector_store %arg6[%swap3A_121, %swap3A_122], %broadcast_in_dim3A_3 {strides = array<i32>} : memref<40x512xf32, #tpu.memory_space<vmem>>, vector<16xf32>,
      %swap3A_124 = arith.index_cast %scan3A_69 : i32 to index
      %swap3A_125 = arith.constant 288 : index
      %swap3A_126 = tpu.vector_load %arg6[%swap3A_124, %swap3A_125] {strides = array<i32>} : memref<40x512xf32, #tpu.memory_space<vmem>>, vector<16xf32>,
      tpu.vector_store %arg6[%swap3A_124, %swap3A_125], %broadcast_in_dim3A_3 {strides = array<i32>} : memref<40x512xf32, #tpu.memory_space<vmem>>, vector<16xf32>,
      %swap3A_127 = arith.index_cast %scan3A_69 : i32 to index
      %swap3A_128 = arith.constant 304 : index
      %swap3A_129 = tpu.vector_load %arg6[%swap3A_127, %swap3A_128] {strides = array<i32>} : memref<40x512xf32, #tpu.memory_space<vmem>>, vector<16xf32>,
      tpu.vector_store %arg6[%swap3A_127, %swap3A_128], %broadcast_in_dim3A_3 {strides = array<i32>} : memref<40x512xf32, #tpu.memory_space<vmem>>, vector<16xf32>,
      %swap3A_130 = arith.index_cast %scan3A_69 : i32 to index
      %swap3A_131 = arith.constant 320 : index
      %swap3A_132 = tpu.vector_load %arg6[%swap3A_130, %swap3A_131] {strides = array<i32>} : memref<40x512xf32, #tpu.memory_space<vmem>>, vector<16xf32>,
      tpu.vector_store %arg6[%swap3A_130, %swap3A_131], %broadcast_in_dim3A_3 {strides = array<i32>} : memref<40x512xf32, #tpu.memory_space<vmem>>, vector<16xf32>,
      %swap3A_133 = arith.index_cast %scan3A_69 : i32 to index
      %swap3A_134 = arith.constant 336 : index
      %swap3A_135 = tpu.vector_load %arg6[%swap3A_133, %swap3A_134] {strides = array<i32>} : memref<40x512xf32, #tpu.memory_space<vmem>>, vector<16xf32>,
      tpu.vector_store %arg6[%swap3A_133, %swap3A_134], %broadcast_in_dim3A_3 {strides = array<i32>} : memref<40x512xf32, #tpu.memory_space<vmem>>, vector<16xf32>,
      %swap3A_136 = arith.index_cast %scan3A_69 : i32 to index
      %swap3A_137 = arith.constant 352 : index
      %swap3A_138 = tpu.vector_load %arg6[%swap3A_136, %swap3A_137] {strides = array<i32>} : memref<40x512xf32, #tpu.memory_space<vmem>>, vector<16xf32>,
      tpu.vector_store %arg6[%swap3A_136, %swap3A_137], %broadcast_in_dim3A_3 {strides = array<i32>} : memref<40x512xf32, #tpu.memory_space<vmem>>, vector<16xf32>,
      %swap3A_139 = arith.index_cast %scan3A_69 : i32 to index
      %swap3A_140 = arith.constant 368 : index
      %swap3A_141 = tpu.vector_load %arg6[%swap3A_139, %swap3A_140] {strides = array<i32>} : memref<40x512xf32, #tpu.memory_space<vmem>>, vector<16xf32>,
      tpu.vector_store %arg6[%swap3A_139, %swap3A_140], %broadcast_in_dim3A_3 {strides = array<i32>} : memref<40x512xf32, #tpu.memory_space<vmem>>, vector<16xf32>,
      %swap3A_142 = arith.index_cast %scan3A_69 : i32 to index
      %swap3A_143 = arith.constant 384 : index
      %swap3A_144 = tpu.vector_load %arg6[%swap3A_142, %swap3A_143] {strides = array<i32>} : memref<40x512xf32, #tpu.memory_space<vmem>>, vector<16xf32>,
      tpu.vector_store %arg6[%swap3A_142, %swap3A_143], %broadcast_in_dim3A_3 {strides = array<i32>} : memref<40x512xf32, #tpu.memory_space<vmem>>, vector<16xf32>,
      %swap3A_145 = arith.index_cast %scan3A_69 : i32 to index
      %swap3A_146 = arith.constant 400 : index
      %swap3A_147 = tpu.vector_load %arg6[%swap3A_145, %swap3A_146] {strides = array<i32>} : memref<40x512xf32, #tpu.memory_space<vmem>>, vector<16xf32>,
      tpu.vector_store %arg6[%swap3A_145, %swap3A_146], %broadcast_in_dim3A_3 {strides = array<i32>} : memref<40x512xf32, #tpu.memory_space<vmem>>, vector<16xf32>,
      %swap3A_148 = arith.index_cast %scan3A_69 : i32 to index
      %swap3A_149 = arith.constant 416 : index
      %swap3A_150 = tpu.vector_load %arg6[%swap3A_148, %swap3A_149] {strides = array<i32>} : memref<40x512xf32, #tpu.memory_space<vmem>>, vector<16xf32>,
      tpu.vector_store %arg6[%swap3A_148, %swap3A_149], %broadcast_in_dim3A_3 {strides = array<i32>} : memref<40x512xf32, #tpu.memory_space<vmem>>, vector<16xf32>,
      %swap3A_151 = arith.index_cast %scan3A_69 : i32 to index
      %swap3A_152 = arith.constant 432 : index
      %swap3A_153 = tpu.vector_load %arg6[%swap3A_151, %swap3A_152] {strides = array<i32>} : memref<40x512xf32, #tpu.memory_space<vmem>>, vector<16xf32>,
      tpu.vector_store %arg6[%swap3A_151, %swap3A_152], %broadcast_in_dim3A_3 {strides = array<i32>} : memref<40x512xf32, #tpu.memory_space<vmem>>, vector<16xf32>,
      %swap3A_154 = arith.index_cast %scan3A_69 : i32 to index
      %swap3A_155 = arith.constant 448 : index
      %swap3A_156 = tpu.vector_load %arg6[%swap3A_154, %swap3A_155] {strides = array<i32>} : memref<40x512xf32, #tpu.memory_space<vmem>>, vector<16xf32>,
      tpu.vector_store %arg6[%swap3A_154, %swap3A_155], %broadcast_in_dim3A_3 {strides = array<i32>} : memref<40x512xf32, #tpu.memory_space<vmem>>, vector<16xf32>,
      %swap3A_157 = arith.index_cast %scan3A_69 : i32 to index
      %swap3A_158 = arith.constant 464 : index
      %swap3A_159 = tpu.vector_load %arg6[%swap3A_157, %swap3A_158] {strides = array<i32>} : memref<40x512xf32, #tpu.memory_space<vmem>>, vector<16xf32>,
      tpu.vector_store %arg6[%swap3A_157, %swap3A_158], %broadcast_in_dim3A_3 {strides = array<i32>} : memref<40x512xf32, #tpu.memory_space<vmem>>, vector<16xf32>,
      %swap3A_160 = arith.index_cast %scan3A_69 : i32 to index
      %swap3A_161 = arith.constant 480 : index
      %swap3A_162 = tpu.vector_load %arg6[%swap3A_160, %swap3A_161] {strides = array<i32>} : memref<40x512xf32, #tpu.memory_space<vmem>>, vector<16xf32>,
      tpu.vector_store %arg6[%swap3A_160, %swap3A_161], %broadcast_in_dim3A_3 {strides = array<i32>} : memref<40x512xf32, #tpu.memory_space<vmem>>, vector<16xf32>,
      %swap3A_163 = arith.index_cast %scan3A_69 : i32 to index
      %swap3A_164 = arith.constant 496 : index
      %swap3A_165 = tpu.vector_load %arg6[%swap3A_163, %swap3A_164] {strides = array<i32>} : memref<40x512xf32, #tpu.memory_space<vmem>>, vector<16xf32>,
      tpu.vector_store %arg6[%swap3A_163, %swap3A_164], %broadcast_in_dim3A_3 {strides = array<i32>} : memref<40x512xf32, #tpu.memory_space<vmem>>, vector<16xf32>,
      %scan3A_166 = arith.constant 0 : i32
      scf.yield %scan3A_166 : i32
    }
    %scan3A_28 = arith.constant 40 : i32
    %scan3A_29 = arith.constant 0 : i32
    %scan3A_30 = arith.constant 0 : i32
    %scan3A_31 = arith.constant 32 : i32
    %scan3A_32 = arith.addi %scan3A_30, %scan3A_31 : i32
    %scan3A_33 = arith.constant 1 : i32
    %scan3A_34 = scf.for %scan3A_69 = %scan3A_30 to %scan3A_32 step %scan3A_33 iter_args(%scan3A_70 = %scan3A_29) -> (i32)  : i32 {
      %mul3A_71 = arith.constant 16 : i32
      %mul3A_72 = arith.muli %scan3A_69, %mul3A_71 : i32
      %multiple_of3A = tpu.assume_multiple %mul3A_72, 16 : i32
      %get3A = arith.index_cast %multiple_of3A : i32 to index
      %get3A_73 = tpu.vector_load %arg4[%get3A] {strides = array<i32>} : memref<512xi32, #tpu.memory_space<vmem>>, vector<16xi32>,
      %add3A_74 = vector.broadcast %multiple_of3A : i32 to vector<16xi32>
      %add3A_75 = arith.addi %iota3A, %add3A_74 : vector<16xi32>
      %ge3A = arith.constant 40 : i32
      %ge3A_76 = vector.broadcast %ge3A : i32 to vector<16xi32>
      %ge3A_77 = arith.cmpi sge, %get3A_73, %ge3A_76 : vector<16xi32>
      %lt3A = arith.constant 80 : i32
      %lt3A_78 = vector.broadcast %lt3A : i32 to vector<16xi32>
      %lt3A_79 = arith.cmpi slt, %get3A_73, %lt3A_78 : vector<16xi32>
      %and3A = arith.andi %ge3A_77, %lt3A_79 : vector<16xi1>
      %sub3A = arith.constant 40 : i32
      %sub3A_80 = vector.broadcast %sub3A : i32 to vector<16xi32>
      %sub3A_81 = arith.subi %get3A_73, %sub3A_80 : vector<16xi32>
      %jit3A = arith.constant 0 : i32
      %broadcast_in_dim3A_82 = vector.broadcast %jit3A : i32 to vector<16xi32>
      %select_n3A = arith.select %and3A, %sub3A_81, %broadcast_in_dim3A_82 : vector<16xi1>, vector<16xi32>
      tpu.vector_store_idx %arg6[%select_n3A, %add3A_75], %broadcast_in_dim3A_5 masked %and3A : memref<40x512xf32, #tpu.memory_space<vmem>>[vector<16xi32>, vector<16xi32>], vector<16xf32>, vector<16xi1>
      %scan3A_83 = arith.constant 0 : i32
      scf.yield %scan3A_83 : i32
    }
    %scan3A_35 = arith.constant 32 : i32
    %dma_start3A_36 = arith.constant 40 : i32
    %dma_start3A_37 = tpu.memref_slice %arg3[%dma_start3A_36, %mul3A_2] : memref<1000x16384xf32, #tpu.memory_space<hbm>> -> memref<40x512xf32, #tpu.memory_space<hbm>>
    %dma_start3A_38 = arith.constant 40 : i32
    %dma_start3A_39 = tpu.memref_slice %arg3[%dma_start3A_38, %mul3A_2] : memref<1000x16384xf32, #tpu.memory_space<hbm>> -> memref<40x512xf32, #tpu.memory_space<hbm>>
    tpu.enqueue_dma source(%arg6 : memref<40x512xf32, #tpu.memory_space<vmem>>) target(%dma_start3A_39 : memref<40x512xf32, #tpu.memory_space<hbm>>) target_semaphore(%arg8 : memref<!tpu.dma_semaphore, #tpu.memory_space<semaphore_mem>>)
    %scan3A_40 = arith.constant 0 : i32
    %scan3A_41 = arith.constant 0 : i32
    %scan3A_42 = arith.constant 11 : i32
    %scan3A_43 = arith.addi %scan3A_41, %scan3A_42 : i32
    %scan3A_44 = arith.constant 1 : i32
    %scan3A_45 = scf.for %scan3A_69 = %scan3A_41 to %scan3A_43 step %scan3A_44 iter_args(%scan3A_70 = %scan3A_40) -> (i32)  : i32 {
      %mul3A_71 = arith.constant 2 : i32
      %mul3A_72 = arith.muli %mul3A_71, %scan3A_69 : i32
      %add3A_73 = arith.constant 2 : i32
      %add3A_74 = arith.addi %mul3A_72, %add3A_73 : i32
      %add3A_75 = arith.constant 0 : i32
      %add3A_76 = arith.addi %add3A_74, %add3A_75 : i32
      %mul3A_77 = arith.constant 40 : i32
      %mul3A_78 = arith.muli %add3A_76, %mul3A_77 : i32
      %multiple_of3A = tpu.assume_multiple %mul3A_78, 8 : i32
      %sub3A = arith.constant 80 : i32
      %sub3A_79 = arith.subi %multiple_of3A, %sub3A : i32
      %dma_wait3A_80 = tpu.memref_slice %arg3[%multiple_of3A, %mul3A_2] : memref<1000x16384xf32, #tpu.memory_space<hbm>> -> memref<40x512xf32, #tpu.memory_space<hbm>>
      %dma_wait3A_81 = tpu.memref_slice %arg3[%multiple_of3A, %mul3A_2] : memref<1000x16384xf32, #tpu.memory_space<hbm>> -> memref<40x512xf32, #tpu.memory_space<hbm>>
      tpu.wait_dma2 semaphore(%arg7 : memref<!tpu.dma_semaphore, #tpu.memory_space<semaphore_mem>>) src(%arg5 : memref<40x512xf32, #tpu.memory_space<vmem>>) dst(%dma_wait3A_81 : memref<40x512xf32, #tpu.memory_space<hbm>>)
      %add3A_82 = arith.constant 40 : i32
      %add3A_83 = arith.addi %multiple_of3A, %add3A_82 : i32
      %add3A_84 = arith.constant 40 : i32
      %add3A_85 = arith.addi %sub3A_79, %add3A_84 : i32
      %scan3A_86 = arith.constant 0 : i32
      %scan3A_87 = arith.constant 0 : i32
      %scan3A_88 = arith.constant 32 : i32
      %scan3A_89 = arith.addi %scan3A_87, %scan3A_88 : i32
      %scan3A_90 = arith.constant 1 : i32
      %scan3A_91 = scf.for %scan3A_122 = %scan3A_87 to %scan3A_89 step %scan3A_90 iter_args(%scan3A_123 = %scan3A_86) -> (i32)  : i32 {
        %mul3A_124 = arith.constant 16 : i32
        %mul3A_125 = arith.muli %scan3A_122, %mul3A_124 : i32
        %multiple_of3A_126 = tpu.assume_multiple %mul3A_125, 16 : i32
        %get3A = arith.index_cast %multiple_of3A_126 : i32 to index
        %get3A_127 = tpu.vector_load %arg4[%get3A] {strides = array<i32>} : memref<512xi32, #tpu.memory_space<vmem>>, vector<16xi32>,
        %add3A_128 = vector.broadcast %multiple_of3A_126 : i32 to vector<16xi32>
        %add3A_129 = arith.addi %iota3A, %add3A_128 : vector<16xi32>
        %ge3A = vector.broadcast %sub3A_79 : i32 to vector<16xi32>
        %ge3A_130 = arith.cmpi sge, %get3A_127, %ge3A : vector<16xi32>
        %lt3A = vector.broadcast %add3A_85 : i32 to vector<16xi32>
        %lt3A_131 = arith.cmpi slt, %get3A_127, %lt3A : vector<16xi32>
        %and3A = arith.andi %ge3A_130, %lt3A_131 : vector<16xi1>
        %sub3A_132 = vector.broadcast %sub3A_79 : i32 to vector<16xi32>
        %sub3A_133 = arith.subi %get3A_127, %sub3A_132 : vector<16xi32>
        %jit3A = arith.constant 0 : i32
        %broadcast_in_dim3A_134 = vector.broadcast %jit3A : i32 to vector<16xi32>
        %select_n3A = arith.select %and3A, %sub3A_133, %broadcast_in_dim3A_134 : vector<16xi1>, vector<16xi32>
        tpu.vector_store_idx %arg5[%select_n3A, %add3A_129], %broadcast_in_dim3A_3 masked %and3A : memref<40x512xf32, #tpu.memory_space<vmem>>[vector<16xi32>, vector<16xi32>], vector<16xf32>, vector<16xi1>
        %ge3A_135 = vector.broadcast %multiple_of3A : i32 to vector<16xi32>
        %ge3A_136 = arith.cmpi sge, %get3A_127, %ge3A_135 : vector<16xi32>
        %lt3A_137 = vector.broadcast %add3A_83 : i32 to vector<16xi32>
        %lt3A_138 = arith.cmpi slt, %get3A_127, %lt3A_137 : vector<16xi32>
        %and3A_139 = arith.andi %ge3A_136, %lt3A_138 : vector<16xi1>
        %sub3A_140 = vector.broadcast %multiple_of3A : i32 to vector<16xi32>
        %sub3A_141 = arith.subi %get3A_127, %sub3A_140 : vector<16xi32>
        %jit3A_142 = arith.constant 0 : i32
        %broadcast_in_dim3A_143 = vector.broadcast %jit3A_142 : i32 to vector<16xi32>
        %select_n3A_144 = arith.select %and3A_139, %sub3A_141, %broadcast_in_dim3A_143 : vector<16xi1>, vector<16xi32>
        tpu.vector_store_idx %arg5[%select_n3A_144, %add3A_129], %broadcast_in_dim3A_5 masked %and3A_139 : memref<40x512xf32, #tpu.memory_space<vmem>>[vector<16xi32>, vector<16xi32>], vector<16xf32>, vector<16xi1>
        %scan3A_145 = arith.constant 0 : i32
        scf.yield %scan3A_145 : i32
      }
      %scan3A_92 = arith.constant 32 : i32
      %dma_start3A_93 = tpu.memref_slice %arg3[%multiple_of3A, %mul3A_2] : memref<1000x16384xf32, #tpu.memory_space<hbm>> -> memref<40x512xf32, #tpu.memory_space<hbm>>
      %dma_start3A_94 = tpu.memref_slice %arg3[%multiple_of3A, %mul3A_2] : memref<1000x16384xf32, #tpu.memory_space<hbm>> -> memref<40x512xf32, #tpu.memory_space<hbm>>
      tpu.enqueue_dma source(%arg5 : memref<40x512xf32, #tpu.memory_space<vmem>>) target(%dma_start3A_94 : memref<40x512xf32, #tpu.memory_space<hbm>>) target_semaphore(%arg7 : memref<!tpu.dma_semaphore, #tpu.memory_space<semaphore_mem>>)
      %mul3A_95 = arith.constant 2 : i32
      %mul3A_96 = arith.muli %mul3A_95, %scan3A_69 : i32
      %add3A_97 = arith.constant 2 : i32
      %add3A_98 = arith.addi %mul3A_96, %add3A_97 : i32
      %add3A_99 = arith.constant 1 : i32
      %add3A_100 = arith.addi %add3A_98, %add3A_99 : i32
      %mul3A_101 = arith.constant 40 : i32
      %mul3A_102 = arith.muli %add3A_100, %mul3A_101 : i32
      %multiple_of3A_103 = tpu.assume_multiple %mul3A_102, 8 : i32
      %sub3A_104 = arith.constant 80 : i32
      %sub3A_105 = arith.subi %multiple_of3A_103, %sub3A_104 : i32
      %dma_wait3A_106 = tpu.memref_slice %arg3[%multiple_of3A_103, %mul3A_2] : memref<1000x16384xf32, #tpu.memory_space<hbm>> -> memref<40x512xf32, #tpu.memory_space<hbm>>
      %dma_wait3A_107 = tpu.memref_slice %arg3[%multiple_of3A_103, %mul3A_2] : memref<1000x16384xf32, #tpu.memory_space<hbm>> -> memref<40x512xf32, #tpu.memory_space<hbm>>
      tpu.wait_dma2 semaphore(%arg8 : memref<!tpu.dma_semaphore, #tpu.memory_space<semaphore_mem>>) src(%arg6 : memref<40x512xf32, #tpu.memory_space<vmem>>) dst(%dma_wait3A_107 : memref<40x512xf32, #tpu.memory_space<hbm>>)
      %add3A_108 = arith.constant 40 : i32
      %add3A_109 = arith.addi %multiple_of3A_103, %add3A_108 : i32
      %add3A_110 = arith.constant 40 : i32
      %add3A_111 = arith.addi %sub3A_105, %add3A_110 : i32
      %scan3A_112 = arith.constant 0 : i32
      %scan3A_113 = arith.constant 0 : i32
      %scan3A_114 = arith.constant 32 : i32
      %scan3A_115 = arith.addi %scan3A_113, %scan3A_114 : i32
      %scan3A_116 = arith.constant 1 : i32
      %scan3A_117 = scf.for %scan3A_122 = %scan3A_113 to %scan3A_115 step %scan3A_116 iter_args(%scan3A_123 = %scan3A_112) -> (i32)  : i32 {
        %mul3A_124 = arith.constant 16 : i32
        %mul3A_125 = arith.muli %scan3A_122, %mul3A_124 : i32
        %multiple_of3A_126 = tpu.assume_multiple %mul3A_125, 16 : i32
        %get3A = arith.index_cast %multiple_of3A_126 : i32 to index
        %get3A_127 = tpu.vector_load %arg4[%get3A] {strides = array<i32>} : memref<512xi32, #tpu.memory_space<vmem>>, vector<16xi32>,
        %add3A_128 = vector.broadcast %multiple_of3A_126 : i32 to vector<16xi32>
        %add3A_129 = arith.addi %iota3A, %add3A_128 : vector<16xi32>
        %ge3A = vector.broadcast %sub3A_105 : i32 to vector<16xi32>
        %ge3A_130 = arith.cmpi sge, %get3A_127, %ge3A : vector<16xi32>
        %lt3A = vector.broadcast %add3A_111 : i32 to vector<16xi32>
        %lt3A_131 = arith.cmpi slt, %get3A_127, %lt3A : vector<16xi32>
        %and3A = arith.andi %ge3A_130, %lt3A_131 : vector<16xi1>
        %sub3A_132 = vector.broadcast %sub3A_105 : i32 to vector<16xi32>
        %sub3A_133 = arith.subi %get3A_127, %sub3A_132 : vector<16xi32>
        %jit3A = arith.constant 0 : i32
        %broadcast_in_dim3A_134 = vector.broadcast %jit3A : i32 to vector<16xi32>
        %select_n3A = arith.select %and3A, %sub3A_133, %broadcast_in_dim3A_134 : vector<16xi1>, vector<16xi32>
        tpu.vector_store_idx %arg6[%select_n3A, %add3A_129], %broadcast_in_dim3A_3 masked %and3A : memref<40x512xf32, #tpu.memory_space<vmem>>[vector<16xi32>, vector<16xi32>], vector<16xf32>, vector<16xi1>
        %ge3A_135 = vector.broadcast %multiple_of3A_103 : i32 to vector<16xi32>
        %ge3A_136 = arith.cmpi sge, %get3A_127, %ge3A_135 : vector<16xi32>
        %lt3A_137 = vector.broadcast %add3A_109 : i32 to vector<16xi32>
        %lt3A_138 = arith.cmpi slt, %get3A_127, %lt3A_137 : vector<16xi32>
        %and3A_139 = arith.andi %ge3A_136, %lt3A_138 : vector<16xi1>
        %sub3A_140 = vector.broadcast %multiple_of3A_103 : i32 to vector<16xi32>
        %sub3A_141 = arith.subi %get3A_127, %sub3A_140 : vector<16xi32>
        %jit3A_142 = arith.constant 0 : i32
        %broadcast_in_dim3A_143 = vector.broadcast %jit3A_142 : i32 to vector<16xi32>
        %select_n3A_144 = arith.select %and3A_139, %sub3A_141, %broadcast_in_dim3A_143 : vector<16xi1>, vector<16xi32>
        tpu.vector_store_idx %arg6[%select_n3A_144, %add3A_129], %broadcast_in_dim3A_5 masked %and3A_139 : memref<40x512xf32, #tpu.memory_space<vmem>>[vector<16xi32>, vector<16xi32>], vector<16xf32>, vector<16xi1>
        %scan3A_145 = arith.constant 0 : i32
        scf.yield %scan3A_145 : i32
      }
      %scan3A_118 = arith.constant 32 : i32
      %dma_start3A_119 = tpu.memref_slice %arg3[%multiple_of3A_103, %mul3A_2] : memref<1000x16384xf32, #tpu.memory_space<hbm>> -> memref<40x512xf32, #tpu.memory_space<hbm>>
      %dma_start3A_120 = tpu.memref_slice %arg3[%multiple_of3A_103, %mul3A_2] : memref<1000x16384xf32, #tpu.memory_space<hbm>> -> memref<40x512xf32, #tpu.memory_space<hbm>>
      tpu.enqueue_dma source(%arg6 : memref<40x512xf32, #tpu.memory_space<vmem>>) target(%dma_start3A_120 : memref<40x512xf32, #tpu.memory_space<hbm>>) target_semaphore(%arg8 : memref<!tpu.dma_semaphore, #tpu.memory_space<semaphore_mem>>)
      %scan3A_121 = arith.constant 0 : i32
      scf.yield %scan3A_121 : i32
    }
    %scan3A_46 = arith.constant 11 : i32
    %dma_wait3A = arith.constant 960 : i32
    %dma_wait3A_47 = tpu.memref_slice %arg3[%dma_wait3A, %mul3A_2] : memref<1000x16384xf32, #tpu.memory_space<hbm>> -> memref<40x512xf32, #tpu.memory_space<hbm>>
    %dma_wait3A_48 = arith.constant 960 : i32
    %dma_wait3A_49 = tpu.memref_slice %arg3[%dma_wait3A_48, %mul3A_2] : memref<1000x16384xf32, #tpu.memory_space<hbm>> -> memref<40x512xf32, #tpu.memory_space<hbm>>
    tpu.wait_dma2 semaphore(%arg7 : memref<!tpu.dma_semaphore, #tpu.memory_space<semaphore_mem>>) src(%arg5 : memref<40x512xf32, #tpu.memory_space<vmem>>) dst(%dma_wait3A_49 : memref<40x512xf32, #tpu.memory_space<hbm>>)
    %scan3A_50 = arith.constant 0 : i32
    %scan3A_51 = arith.constant 0 : i32
    %scan3A_52 = arith.constant 32 : i32
    %scan3A_53 = arith.addi %scan3A_51, %scan3A_52 : i32
    %scan3A_54 = arith.constant 1 : i32
    %scan3A_55 = scf.for %scan3A_69 = %scan3A_51 to %scan3A_53 step %scan3A_54 iter_args(%scan3A_70 = %scan3A_50) -> (i32)  : i32 {
      %mul3A_71 = arith.constant 16 : i32
      %mul3A_72 = arith.muli %scan3A_69, %mul3A_71 : i32
      %multiple_of3A = tpu.assume_multiple %mul3A_72, 16 : i32
      %get3A = arith.index_cast %multiple_of3A : i32 to index
      %get3A_73 = tpu.vector_load %arg4[%get3A] {strides = array<i32>} : memref<512xi32, #tpu.memory_space<vmem>>, vector<16xi32>,
      %add3A_74 = vector.broadcast %multiple_of3A : i32 to vector<16xi32>
      %add3A_75 = arith.addi %iota3A, %add3A_74 : vector<16xi32>
      %ge3A = arith.constant 880 : i32
      %ge3A_76 = vector.broadcast %ge3A : i32 to vector<16xi32>
      %ge3A_77 = arith.cmpi sge, %get3A_73, %ge3A_76 : vector<16xi32>
      %lt3A = arith.constant 920 : i32
      %lt3A_78 = vector.broadcast %lt3A : i32 to vector<16xi32>
      %lt3A_79 = arith.cmpi slt, %get3A_73, %lt3A_78 : vector<16xi32>
      %and3A = arith.andi %ge3A_77, %lt3A_79 : vector<16xi1>
      %sub3A = arith.constant 880 : i32
      %sub3A_80 = vector.broadcast %sub3A : i32 to vector<16xi32>
      %sub3A_81 = arith.subi %get3A_73, %sub3A_80 : vector<16xi32>
      %jit3A = arith.constant 0 : i32
      %broadcast_in_dim3A_82 = vector.broadcast %jit3A : i32 to vector<16xi32>
      %select_n3A = arith.select %and3A, %sub3A_81, %broadcast_in_dim3A_82 : vector<16xi1>, vector<16xi32>
      tpu.vector_store_idx %arg5[%select_n3A, %add3A_75], %broadcast_in_dim3A_3 masked %and3A : memref<40x512xf32, #tpu.memory_space<vmem>>[vector<16xi32>, vector<16xi32>], vector<16xf32>, vector<16xi1>
      %ge3A_83 = arith.constant 960 : i32
      %ge3A_84 = vector.broadcast %ge3A_83 : i32 to vector<16xi32>
      %ge3A_85 = arith.cmpi sge, %get3A_73, %ge3A_84 : vector<16xi32>
      %lt3A_86 = arith.constant 1000 : i32
      %lt3A_87 = vector.broadcast %lt3A_86 : i32 to vector<16xi32>
      %lt3A_88 = arith.cmpi slt, %get3A_73, %lt3A_87 : vector<16xi32>
      %and3A_89 = arith.andi %ge3A_85, %lt3A_88 : vector<16xi1>
      %sub3A_90 = arith.constant 960 : i32
      %sub3A_91 = vector.broadcast %sub3A_90 : i32 to vector<16xi32>
      %sub3A_92 = arith.subi %get3A_73, %sub3A_91 : vector<16xi32>
      %jit3A_93 = arith.constant 0 : i32
      %broadcast_in_dim3A_94 = vector.broadcast %jit3A_93 : i32 to vector<16xi32>
      %select_n3A_95 = arith.select %and3A_89, %sub3A_92, %broadcast_in_dim3A_94 : vector<16xi1>, vector<16xi32>
      tpu.vector_store_idx %arg5[%select_n3A_95, %add3A_75], %broadcast_in_dim3A_5 masked %and3A_89 : memref<40x512xf32, #tpu.memory_space<vmem>>[vector<16xi32>, vector<16xi32>], vector<16xf32>, vector<16xi1>
      %scan3A_96 = arith.constant 0 : i32
      scf.yield %scan3A_96 : i32
    }
    %scan3A_56 = arith.constant 32 : i32
    %dma_start3A_57 = arith.constant 960 : i32
    %dma_start3A_58 = tpu.memref_slice %arg3[%dma_start3A_57, %mul3A_2] : memref<1000x16384xf32, #tpu.memory_space<hbm>> -> memref<40x512xf32, #tpu.memory_space<hbm>>
    %dma_start3A_59 = arith.constant 960 : i32
    %dma_start3A_60 = tpu.memref_slice %arg3[%dma_start3A_59, %mul3A_2] : memref<1000x16384xf32, #tpu.memory_space<hbm>> -> memref<40x512xf32, #tpu.memory_space<hbm>>
    tpu.enqueue_dma source(%arg5 : memref<40x512xf32, #tpu.memory_space<vmem>>) target(%dma_start3A_60 : memref<40x512xf32, #tpu.memory_space<hbm>>) target_semaphore(%arg7 : memref<!tpu.dma_semaphore, #tpu.memory_space<semaphore_mem>>)
    %dma_wait3A_61 = arith.constant 920 : i32
    %dma_wait3A_62 = tpu.memref_slice %arg3[%dma_wait3A_61, %mul3A_2] : memref<1000x16384xf32, #tpu.memory_space<hbm>> -> memref<40x512xf32, #tpu.memory_space<hbm>>
    %dma_wait3A_63 = arith.constant 920 : i32
    %dma_wait3A_64 = tpu.memref_slice %arg3[%dma_wait3A_63, %mul3A_2] : memref<1000x16384xf32, #tpu.memory_space<hbm>> -> memref<40x512xf32, #tpu.memory_space<hbm>>
    tpu.wait_dma2 semaphore(%arg8 : memref<!tpu.dma_semaphore, #tpu.memory_space<semaphore_mem>>) src(%arg6 : memref<40x512xf32, #tpu.memory_space<vmem>>) dst(%dma_wait3A_64 : memref<40x512xf32, #tpu.memory_space<hbm>>)
    %dma_wait3A_65 = arith.constant 960 : i32
    %dma_wait3A_66 = tpu.memref_slice %arg3[%dma_wait3A_65, %mul3A_2] : memref<1000x16384xf32, #tpu.memory_space<hbm>> -> memref<40x512xf32, #tpu.memory_space<hbm>>
    %dma_wait3A_67 = arith.constant 960 : i32
    %dma_wait3A_68 = tpu.memref_slice %arg3[%dma_wait3A_67, %mul3A_2] : memref<1000x16384xf32, #tpu.memory_space<hbm>> -> memref<40x512xf32, #tpu.memory_space<hbm>>
    tpu.wait_dma2 semaphore(%arg7 : memref<!tpu.dma_semaphore, #tpu.memory_space<semaphore_mem>>) src(%arg5 : memref<40x512xf32, #tpu.memory_space<vmem>>) dst(%dma_wait3A_68 : memref<40x512xf32, #tpu.memory_space<hbm>>)
    return
  }
}

</mosaic_0001>

<sc_bundles>
// kernel: kernel.3.cloned.1.call-start
scs
__scs_entry_jumppad:
0x0: {  	(pc) =	sbr.rel $0x88, $3  }
0x1: {  	(tag) =	ssettag $0x0;
	lr =	simm.s32 $0x1  }
0x2: {  	[smem:$0x3FA0] =	sst lr;
	_ =	strace $0xD0000000  }
0x3: {  	_ = 	snop  }
0x4: {  	_ = 	snop  }
0x5: {  	_ = 	snop  }
0x6: {  	_ = 	snop  }
0x7: {  	_ = 	snop  }
__scs_overlays_trampoline_lowered:
0x8: {  	[smem:$0x3FAF] =	sst s0  }
0x9: {  	[smem:$0x3FB0] =	sst s1  }
0xa: {  	[smem:$0x3FB1] =	sst s2  }
0xb: {  	[smem:$0x3FB2] =	sst s3  }
0xc: {  	[smem:$0x3FB3] =	sst s4  }
0xd: {  	[smem:$0x3FB4] =	sst s5  }
0xe: {  	[smem:$0x3FB5] =	sst s6  }
0xf: {  	[smem:$0x3FB6] =	sst s7  }
0x10: {  	[smem:$0x3FB7] =	sst s8  }
0x11: {  	[smem:$0x3FB8] =	sst s9;
	s0 =	simm.s32 @!p0 $0x0  }
0x12: {  	s1 =	sld [smem:$0x3F9E];
	s0 =	simm.s32 @p0 $0x1  }
0x13: {  	[smem:$0x3FB9] =	sst s0;
	s0 =	simm.s32 @!p1 $0x0  }
0x14: {  	s2 =	sld [smem:$0x3F9D];
	s0 =	simm.s32 @p1 $0x1  }
0x15: {  	[smem:$0x3FBA] =	sst s0;
	s0 =	simm.s32 @!p2 $0x0  }
0x16: {  	s3 =	sld [smem:$0x3FDB];
	s0 =	simm.s32 @p2 $0x1  }
0x17: {  	s4 =	simm.s32 $0x1BF5;
	[smem:$0x3FBC] =	sst s0  }
0x18: {  	s0 =	sld [smem:$0x3F9F];
	_ =	swait.ge [sflag:s4], $0x0  }
0x19: {  	s7 =	sld [smem:$0x3FA0]  }
0x1a: {  	s8 =	sadd.s32 $0xFFFFE003, lr  }
0x1b: {  	s9 =	sadd.s32 $0xFFFFFEF7, lr;
	s5 =	simm.s32 $0xFFFFFFFF;
	p2 =	slt.u32 s8, $0xFFFFF086  }
0x1c: {  	p1 =	slt.u32 s9, $0xF7A;
	s5 =	simm.s32 @!p2 $0x0  }
0x1d: {  	s5 =	simm.s32 @p1 $0x1;
	p0 =	seq.s32 s7, s2  }
0x1e: {  	s7 =	smul.u32 @!p0 $0xF7A, s2;
	p2 =	seq.s32 @!p0 s5, $0x0  }
0x1f: {  	s9 =	smul.u32 $0xF7A, s1;
	s8 =	simm.s32 @!p0 $0x1BF5;
	p2 =	por !p2, p0  }
0x20: {  	[sflag:s8] =	ssyncset.s32 @!p0 $0xFFFFF086;
	s6 =	sadd.s32 @!p0 s3, s7;
	s7 =	simm.s32 @!p0 $0x108  }
0x21: {  	s3 =	sadd.s32 s3, s9;
	s6 =	sadd.s32 @!p0 $0x88, s6;
	s7 =	simm.s32 @p2 $0x1082  }
0x22: {  	[simem:s7], [sflag:s8] =	dma.local @!p0 [hbm:s6], $0xF7A  }
0x23: {  	s9 =	sor.u32 $0xD0000000, s2;
	s6 =	simm.s32 $0x108;
	_ =	swait.ge @!p0 [sflag:s8], $0x0  }
0x24: {  	s3 =	sadd.s32 $0x88, s3;
	s6 =	simm.s32 @!p1 $0x1082;
	[sflag:s4] =	ssyncset.s32 $0xFFFFF086  }
0x25: {  	[simem:s6], [sflag:s4] =	dma.local [hbm:s3], $0xF7A  }
0x26: {  	[smem:$0x3FA0] =	sst s1;
	(tag) =	ssettag s2;
	_ =	strace s9  }
0x27: {  	s1 =	sld [smem:$0x3FB0]  }
0x28: {  	s2 =	sld [smem:$0x3FB1]  }
0x29: {  	s4 =	sld [smem:$0x3FB3]  }
0x2a: {  	p0 =	seq.s32 s5, $0x0;
	s5 =	sld [smem:$0x3FB4]  }
0x2b: {  	s6 =	sld [smem:$0x3FB5]  }
0x2c: {  	s7 =	sld [smem:$0x3FB6]  }
0x2d: {  	s3 =	simm.s32 $0x108;
	s8 =	sld [smem:$0x3FB7]  }
0x2e: {  	s3 =	simm.s32 @!p0 $0x1082;
	s9 =	sld [smem:$0x3FB8]  }
0x2f: {  	lr =	sadd.s32 s0, s3;
	s0 =	sld [smem:$0x3FAF]  }
0x30: {  	s3 =	sld [smem:$0x3FB2]  }
0x31: {  	[smem:$0x3FBB] =	sst s10  }
0x32: {  	s10 =	sld [smem:$0x3FB9];
	_ =	sdelay $0x3  }
0x33: {  	p0 =	seq.s32 s10, $0x1;
	s10 =	sld [smem:$0x3FBB];
	_ =	sdelay $0x3  }
0x34: {  	[smem:$0x3FBB] =	sst s10  }
0x35: {  	s10 =	sld [smem:$0x3FBA];
	_ =	sdelay $0x3  }
0x36: {  	p1 =	seq.s32 s10, $0x1;
	s10 =	sld [smem:$0x3FBB];
	_ =	sdelay $0x3  }
0x37: {  	[smem:$0x3FBB] =	sst s10  }
0x38: {  	s10 =	sld [smem:$0x3FBC]  }
0x39: {  	_ = 	snop;
	(pc) =	sbr.ind lr, $3  }
0x3a: {  	_ = 	snop  }
0x3b: {  	_ = 	snop  }
0x3c: {  	p2 =	seq.s32 s10, $0x1;
	s10 =	sld [smem:$0x3FBB]  }
0x3d: {  	_ =	shalt  }
0x3e: {  	_ =	shalt  }
0x3f: {  	_ =	shalt  }
0x40: {  	_ =	shalt  }
0x41: {  	_ =	shalt  }
0x42: {  	_ =	shalt  }
0x43: {  	_ =	shalt  }
0x44: {  	_ =	shalt  }
0x45: {  	_ =	shalt  }
0x46: {  	_ =	shalt  }
0x47: {  	_ =	shalt  }
0x48: {  	_ =	shalt  }
0x49: {  	_ =	shalt  }
0x4a: {  	_ =	shalt  }
0x4b: {  	_ =	shalt  }
0x4c: {  	_ =	shalt  }
0x4d: {  	_ =	shalt  }
0x4e: {  	_ =	shalt  }
0x4f: {  	_ =	shalt  }
0x50: {  	_ =	shalt  }
0x51: {  	_ =	shalt  }
0x52: {  	_ =	shalt  }
0x53: {  	_ =	shalt  }
0x54: {  	_ =	shalt  }
0x55: {  	_ =	shalt  }
0x56: {  	_ =	shalt  }
0x57: {  	_ =	shalt  }
0x58: {  	_ =	shalt  }
0x59: {  	_ =	shalt  }
0x5a: {  	_ =	shalt  }
0x5b: {  	_ =	shalt  }
0x5c: {  	_ =	shalt  }
0x5d: {  	_ =	shalt  }
0x5e: {  	_ =	shalt  }
0x5f: {  	_ =	shalt  }
0x60: {  	_ =	shalt  }
0x61: {  	_ =	shalt  }
0x62: {  	_ =	shalt  }
0x63: {  	_ =	shalt  }
0x64: {  	_ =	shalt  }
0x65: {  	_ =	shalt  }
0x66: {  	_ =	shalt  }
0x67: {  	_ =	shalt  }
0x68: {  	_ =	shalt  }
0x69: {  	_ =	shalt  }
0x6a: {  	_ =	shalt  }
0x6b: {  	_ =	shalt  }
0x6c: {  	_ =	shalt  }
0x6d: {  	_ =	shalt  }
0x6e: {  	_ =	shalt  }
0x6f: {  	_ =	shalt  }
0x70: {  	_ =	shalt  }
0x71: {  	_ =	shalt  }
0x72: {  	_ =	shalt  }
0x73: {  	_ =	shalt  }
0x74: {  	_ =	shalt  }
0x75: {  	_ =	shalt  }
0x76: {  	_ =	shalt  }
0x77: {  	_ =	shalt  }
0x78: {  	_ =	shalt  }
0x79: {  	_ =	shalt  }
0x7a: {  	_ =	shalt  }
0x7b: {  	_ =	shalt  }
0x7c: {  	_ =	shalt  }
0x7d: {  	_ =	shalt  }
0x7e: {  	_ =	shalt  }
0x7f: {  	_ =	shalt  }
0x80: {  	_ =	shalt  }
0x81: {  	_ =	shalt  }
0x82: {  	_ =	shalt  }
0x83: {  	_ =	shalt  }
0x84: {  	_ =	shalt  }
0x85: {  	_ =	shalt  }
0x86: {  	_ =	shalt  }
0x87: {  	_ =	shalt  }
.Lfunc_end0:
.L_simem_size_0:
called_computation_lowered:
.L_overlay_start_0:
0x88: {  	s2 =	sld [smem:$0x3FD9]  }
0x89: {  	s3 =	sld [smem:$0x3FFE];
	_ =	sdelay $0x1  }
0x8a: {  	s1 =	srdreg.scid  }
0x8b: {  	s0 =	sand.u32 $0x1, s1  }
0x8c: {  	s18 =	sshll.u32 s0, $0xA;
	s2 =	sadd.s32 s3, s2  }
0x8d: {  	s2 =	sadd.s32 s2, s18  }
0x8e: {  	[smem:$0x3FC7] =	sst s2  }
0x8f: {  	_ = 	snop  }
0x90: {  	s2 =	sld [smem:$0x3FC9]  }
0x91: {  	s19 =	sld [smem:$0x3FD0];
	(tm) =	ssettm $0x1  }
0x92: {  	s4 =	sld [smem:$0x3FFB];
	_ =	sdelay $0x3  }
0x93: {  	_ =	strace s4  }
0x94: {  	s4 =	sld [smem:$0x3FFC];
	_ =	sdelay $0x3  }
0x95: {  	_ =	strace s4  }
0x96: {  	s4 =	sld [smem:$0x3FFD];
	_ =	sdelay $0x3  }
0x97: {  	_ =	strace s4  }
0x98: {  	_ =	strace $0x8FFFFFFF  }
0x99: {  	s20 =	sld [smem:$0x3FDB];
	_ =	sdelay $0x1  }
0x9a: {  	s5 =	simm.s32 $_scs_section_size  }
0x9b: {  	s6 =	simm.s32 $_size__tile_overlayer_lowered;
	s7 =	simm.s32 $_tile_overlayer_lowered  }
0x9c: {  	s23 =	simm.s32 $0x1BFF;
	s22 =	sshll.u32 s7, $0x1;
	s4 =	sadd.s32 s5, s20  }
0x9d: {  	s8 =	simm.s32 $0x0;
	s21 =	sshll.u32 s6, $0x1;
	s6 =	sadd.s32 s22, s4  }
0x9e: {  	[timem:s8], [sflag:s23] =	dma.local [hbm:s6], s21  }
0x9f: {  	_ =	swait.ge [sflag:s23], s21  }
0xa0: {  	s5 =	ssub.s32 $0x0, s21;
	[sflag:s23] =	ssyncset.done $0x0  }
0xa1: {  	[sflag:s23] =	ssyncadd.s32 s5;
	_ =	sdelay $0x1  }
0xa2: {  	s24 =	simm.s32 $0x1B8B  }
0xa3: {  	_ =	swait.ge [sflag:s24], $0x1  }
0xa4: {  	[sflag:s24] =	ssyncset.done $0x0  }
0xa5: {  	s25 =	simm.s32 $0x1B8E;
	[sflag:s24] =	ssyncadd.s32 $0xFFFFFFFF  }
0xa6: {  	s26 =	simm.s32 $execute0_lowered;
	[smem:$0x3FD2] =	sst s25  }
0xa7: {  	s5 =	sshll.u32 s26, $0x1;
	_ =	strace $0x80000046;
	[dreg:$0x1] =	wrdreg $0xFFFFFFFF  }
0xa8: {  	s28 =	simm.s32 $_size_execute0_lowered;
	s4 =	sadd.s32 s4, s5;
	[dreg:$0x0] =	wrdreg $0x0  }
0xa9: {  	s5 =	sshll.u32 s28, $0x1;
	[dreg:$0x2] =	wrdreg s4  }
0xaa: {  	[dreg:$0x3] =	wrdreg s5  }
0xab: {  	[dreg:$0x4] =	wrdreg $0xC0  }
0xac: {  	_ =	task [dreg:s8], $0x5FFFF  }
0xad: {  	[dreg:$0x1] =	wrdreg $0xFFFFFFFF  }
0xae: {  	[dreg:$0x0] =	wrdreg $0x60  }
0xaf: {  	[dreg:$0x2] =	wrdreg s2  }
0xb0: {  	[dreg:$0x3] =	wrdreg s19  }
0xb1: {  	[dreg:$0x4] =	wrdreg $0x9  }
0xb2: {  	_ =	task.clear_ibuf [dreg:s8], $0x5FFFF;
	_ =	strace $0x90000046  }
0xb3: {  	s29 =	simm.s32 $0x9;
	_ =	strace $0x80000048  }
0xb4: {  	_ =	swait.ge [sflag:s29], $0x1  }
0xb5: {  	[sflag:s29] =	ssyncadd.s32 $0xFFFFFFFF  }
0xb6: {  	_ =	strace $0x90000048  }
0xb7: {  	_ =	sfence  }
0xb8: {  	s30 =	sld [smem:$0x0];
	_ =	sdelay $0x2  }
0xb9: {  	s31 =	sshll.u32 s1, $0xD;
	s1 =	sshrl.u32 s1, $0x2  }
0xba: {  	s3 =	sand.u32 $0x4000, s31;
	s1 =	sadd.s32 s1, s30  }
0xbb: {  	s0 =	sor.u32 s3, s0;
	s1 =	sshll.u32 s1, $0x11  }
0xbc: {  	s0 =	sor.u32 s1, s0  }
0xbd: {  	s0 =	sadd.s32 $0x8F2B, s0  }
0xbe: {  	[sflag:s0] =	ssyncadd.remote.s32 $0x1  }
0xbf: {  	_ =	sfence.sel $0xFFFF  }
0xc0: {  	[dreg:$0x0] =	wrdreg $0xFFFFFFFF;
	(pc) =	sbr.abs _section_cstart, $3  }
0xc1: {  	[dreg:$0x1] =	wrdreg $0xFFFFFFFF  }
0xc2: {  	_ =	task.clear_ibuf [dreg:s8], $0x2FFFF;
	_ =	strace $0x9FFFFFFF  }
0xc3: {  	(tm) =	ssettm $0x7FFFFFFF  }
tec
execute0_lowered:
.L_overlay_start_1:
0x0: {  	(tag) =	ssettag $0x1  }
0x1: {  	s4 =	rddreg [dreg:$0x0]  }
0x2: {  	s3 =	rddreg [dreg:$0x1]  }
0x3: {  	s0 =	rddreg [dreg:$0x2];
	s2 =	simm.s32 $0x0;
	s5 =	srdreg.scid  }
0x4: {  	s1 =	stileid.u32;
	s9 =	simm.s32 $0x200;
	s10 =	simm.s32 $0x1000  }
0x5: {  	s11 =	simm.s32 $0x20000;
	s12 =	simm.s32 $0x5200;
	s13 =	simm.s32 $0x1  }
0x6: {  	s14 =	simm.s32 $0x2;
	s15 =	simm.s32 $0x0;
	s5 =	sand.u32 $0x1, s5  }
0x7: {  	s7 =	sshll.u32 s1, $0xA;
	s6 =	ssub.s32 $0x2, s5;
	s5 =	sshll.u32 s5, $0x9  }
0x8: {  	[smem:$0x7FF] =	sst s2;
	s8 =	sshrl.u32 s6, $0x1;
	s5 =	sor.u32 s5, s7  }
0x9: {  	_ =	strace $0x80000047;
	s30 =	ssub.s32 s6, s8;
	s31 =	sshrl.u32 s5, $0x3  }
0xa: {  	s3 =	sadd.s32 s3, s5;
	s8 =	simm.s32 $0x3;
	s4 =	sadd.s32 s4, s31  }
0xb: {  	v0 =	vimm.f32 $0.0e+00;
	v1 =	vlaneseq.u32;
	v2 =	vimm.f32 $1.000000000e+00;
	s5 =	sadd.s32 $0x14000, s3;
	s6 =	sadd.s32 $0x1E0000, s3;
	s7 =	smax.u32 s30, $0x1  }
.LBB2_1:
0xc: {  	[tilespmem:s2], [sflag:$0x3] =	stream.linear.gather [hbm4b:s4+s2], $0x200, $0x38;
	[tilespmem:$0xA200] =	vst v63  }
0xd: {  	_ =	swait.ge [sflag:s8], $0x200  }
0xe: {  	s16 =	sand.u32 $0x7000, s2;
	s17 =	sand.u32 $0x380, s2;
	[sflag:s8] =	ssyncset.done $0x0  }
0xf: {  	s16 =	sor.u32 s17, s16;
	[sflag:s8] =	ssyncadd.s32 $0xFFFFFE00  }
0x10: {  	[tilespmem:s16+$0xE70] =	vst v0  }
0x11: {  	[tilespmem:s16+$0x200] =	vst v0  }
0x12: {  	[tilespmem:s16+$0x210] =	vst v0  }
0x13: {  	[tilespmem:s16+$0x220] =	vst v0  }
0x14: {  	[tilespmem:s16+$0x230] =	vst v0  }
0x15: {  	[tilespmem:s16+$0x240] =	vst v0  }
0x16: {  	[tilespmem:s16+$0x250] =	vst v0  }
0x17: {  	[tilespmem:s16+$0x260] =	vst v0  }
0x18: {  	[tilespmem:s16+$0x270] =	vst v0  }
0x19: {  	[tilespmem:s16+$0x600] =	vst v0  }
0x1a: {  	[tilespmem:s16+$0x610] =	vst v0  }
0x1b: {  	[tilespmem:s16+$0x620] =	vst v0  }
0x1c: {  	[tilespmem:s16+$0x630] =	vst v0  }
0x1d: {  	[tilespmem:s16+$0x640] =	vst v0  }
0x1e: {  	[tilespmem:s16+$0x650] =	vst v0  }
0x1f: {  	[tilespmem:s16+$0x660] =	vst v0  }
0x20: {  	[tilespmem:s16+$0x670] =	vst v0  }
0x21: {  	[tilespmem:s16+$0xA00] =	vst v0  }
0x22: {  	[tilespmem:s16+$0xA10] =	vst v0  }
0x23: {  	[tilespmem:s16+$0xA20] =	vst v0  }
0x24: {  	[tilespmem:s16+$0xA30] =	vst v0  }
0x25: {  	[tilespmem:s16+$0xA40] =	vst v0  }
0x26: {  	[tilespmem:s16+$0xA50] =	vst v0  }
0x27: {  	[tilespmem:s16+$0xA60] =	vst v0  }
0x28: {  	[tilespmem:s16+$0xA70] =	vst v0  }
0x29: {  	[tilespmem:s16+$0xE00] =	vst v0  }
0x2a: {  	[tilespmem:s16+$0xE10] =	vst v0  }
0x2b: {  	[tilespmem:s16+$0xE20] =	vst v0  }
0x2c: {  	[tilespmem:s16+$0xE30] =	vst v0  }
0x2d: {  	s18 =	simm.s32 $0x200;
	s17 =	simm.s32 $0x80;
	[tilespmem:s16+$0xE40] =	vst v0  }
0x2e: {  	s19 =	sand.u32 $0x7000, s18;
	s18 =	simm.s32 $0x400;
	s20 =	sand.u32 $0x380, s17;
	[tilespmem:s16+$0xE50] =	vst v0  }
.LBB2_2:
0x2f: {  	p0 =	sne.s32 s18, $0x4E00;
	[tilespmem:s16+$0xE60] =	vst v0;
	s16 =	sor.u32 s20, s19  }
0x30: {  	[tilespmem:s16+$0xE70] =	vst v0  }
0x31: {  	[tilespmem:s16+$0x200] =	vst v0  }
0x32: {  	[tilespmem:s16+$0x210] =	vst v0  }
0x33: {  	[tilespmem:s16+$0x220] =	vst v0  }
0x34: {  	[tilespmem:s16+$0x230] =	vst v0  }
0x35: {  	[tilespmem:s16+$0x240] =	vst v0  }
0x36: {  	[tilespmem:s16+$0x250] =	vst v0  }
0x37: {  	[tilespmem:s16+$0x260] =	vst v0  }
0x38: {  	[tilespmem:s16+$0x270] =	vst v0  }
0x39: {  	[tilespmem:s16+$0x600] =	vst v0  }
0x3a: {  	[tilespmem:s16+$0x610] =	vst v0  }
0x3b: {  	[tilespmem:s16+$0x620] =	vst v0  }
0x3c: {  	[tilespmem:s16+$0x630] =	vst v0  }
0x3d: {  	[tilespmem:s16+$0x640] =	vst v0  }
0x3e: {  	[tilespmem:s16+$0x650] =	vst v0  }
0x3f: {  	[tilespmem:s16+$0x660] =	vst v0  }
0x40: {  	[tilespmem:s16+$0x670] =	vst v0  }
0x41: {  	[tilespmem:s16+$0xA00] =	vst v0  }
0x42: {  	[tilespmem:s16+$0xA10] =	vst v0  }
0x43: {  	[tilespmem:s16+$0xA20] =	vst v0  }
0x44: {  	[tilespmem:s16+$0xA30] =	vst v0  }
0x45: {  	[tilespmem:s16+$0xA40] =	vst v0  }
0x46: {  	[tilespmem:s16+$0xA50] =	vst v0  }
0x47: {  	[tilespmem:s16+$0xA60] =	vst v0  }
0x48: {  	[tilespmem:s16+$0xA70] =	vst v0  }
0x49: {  	[tilespmem:s16+$0xE00] =	vst v0  }
.Ltmp0:
0x4a: {  	[tilespmem:s16+$0xE10] =	vst v0;
	(pc) =	sbr.rel @p0 .LBB2_2-.Ltmp0, $4  }
0x4b: {  	[tilespmem:s16+$0xE20] =	vst v0  }
0x4c: {  	[tilespmem:s16+$0xE30] =	vst v0  }
0x4d: {  	s17 =	sadd.s32 $0x80, s17;
	[tilespmem:s16+$0xE40] =	vst v0  }
0x4e: {  	s19 =	sand.u32 $0x7000, s18;
	s18 =	sadd.s32 $0x200, s18;
	s20 =	sand.u32 $0x380, s17;
	[tilespmem:s16+$0xE50] =	vst v0  }
0x4f: {  	s17 =	sor.u32 s20, s19;
	[tilespmem:s16+$0xE60] =	vst v0  }
0x50: {  	[tilespmem:s17+$0xE70] =	vst v0  }
0x51: {  	[tilespmem:s17+$0x200] =	vst v0  }
0x52: {  	[tilespmem:s17+$0x210] =	vst v0  }
0x53: {  	[tilespmem:s17+$0x220] =	vst v0  }
0x54: {  	[tilespmem:s17+$0x230] =	vst v0  }
0x55: {  	[tilespmem:s17+$0x240] =	vst v0  }
0x56: {  	[tilespmem:s17+$0x250] =	vst v0  }
0x57: {  	[tilespmem:s17+$0x260] =	vst v0  }
0x58: {  	[tilespmem:s17+$0x270] =	vst v0  }
0x59: {  	[tilespmem:s17+$0x600] =	vst v0  }
0x5a: {  	[tilespmem:s17+$0x610] =	vst v0  }
0x5b: {  	[tilespmem:s17+$0x620] =	vst v0  }
0x5c: {  	[tilespmem:s17+$0x630] =	vst v0  }
0x5d: {  	[tilespmem:s17+$0x640] =	vst v0  }
0x5e: {  	[tilespmem:s17+$0x650] =	vst v0  }
0x5f: {  	[tilespmem:s17+$0x660] =	vst v0  }
0x60: {  	[tilespmem:s17+$0x670] =	vst v0  }
0x61: {  	[tilespmem:s17+$0xA00] =	vst v0  }
0x62: {  	[tilespmem:s17+$0xA10] =	vst v0  }
0x63: {  	[tilespmem:s17+$0xA20] =	vst v0  }
0x64: {  	[tilespmem:s17+$0xA30] =	vst v0  }
0x65: {  	[tilespmem:s17+$0xA40] =	vst v0  }
0x66: {  	[tilespmem:s17+$0xA50] =	vst v0  }
0x67: {  	[tilespmem:s17+$0xA60] =	vst v0  }
0x68: {  	[tilespmem:s17+$0xA70] =	vst v0  }
0x69: {  	[tilespmem:s17+$0xE00] =	vst v0  }
0x6a: {  	[tilespmem:s17+$0xE10] =	vst v0  }
0x6b: {  	[tilespmem:s17+$0xE20] =	vst v0  }
0x6c: {  	[tilespmem:s17+$0xE30] =	vst v0  }
0x6d: {  	[tilespmem:s17+$0xE40] =	vst v0  }
0x6e: {  	[tilespmem:s17+$0xE50] =	vst v0  }
0x6f: {  	s16 =	simm.s32 $0x0;
	[tilespmem:s17+$0xE60] =	vst v0  }
0x70: {  	s18 =	simm.s32 $0x0;
	s17 =	simm.s32 $0x10;
	v3 =	vld [tilespmem:s16+$0x0]  }
.LBB2_4:
0x71: {  	p0 =	sne.s32 s17, $0x1F0;
	_ =	sdelay $0x3  }
0x72: {  	v4 =	vmov s16;
	vm0 =	vlt.u32 v3, $0x28  }
0x73: {  	v5 =	vor.u32 s16, v1;
	s16 =	smov.u32 s17;
	v4 =	vshll.u32 v4, $0x3;
	v3 =	vnsel vm0, $0x0, v3  }
0x74: {  	v5 =	vand.u32 $0x7F, v5;
	v4 =	vand.u32 $0xC00, v4;
	v6 =	vshll.u32 v3, $0x9  }
0x75: {  	v4 =	vor.u32 v4, v5;
	v3 =	vshll.u32 v3, $0x7;
	v6 =	vand.u32 $0xFFFFF000, v6  }
0x76: {  	v3 =	vand.u32 $0x380, v3;
	v4 =	vor.u32 v6, v4  }
0x77: {  	v3 =	vor.u32 v3, v4;
	_ =	sdelay $0x1  }
.Ltmp1:
0x78: {  	(pc) =	sbr.rel @p0 .LBB2_4-.Ltmp1, $3  }
0x79: {  	_ =	sdelay $0x1  }
0x7a: {  	s18 =	sadd.s32 $0x10, s18;
	[tilespmem:v3+s9+$0x0] =	vst.idx.msk vm0, v2  }
0x7b: {  	s17 =	sadd.s32 $0x10, s17;
	v3 =	vld [tilespmem:s18+$0x0]  }
0x7c: {  	_ =	sdelay $0x3  }
0x7d: {  	v4 =	vmov s16;
	vm0 =	vlt.u32 v3, $0x28  }
0x7e: {  	v5 =	vor.u32 s16, v1;
	v4 =	vshll.u32 v4, $0x3;
	v3 =	vnsel vm0, $0x0, v3  }
0x7f: {  	v5 =	vand.u32 $0x7F, v5;
	v4 =	vand.u32 $0xC00, v4;
	v6 =	vshll.u32 v3, $0x9  }
0x80: {  	v4 =	vor.u32 v4, v5;
	v3 =	vshll.u32 v3, $0x7;
	v6 =	vand.u32 $0xFFFFF000, v6  }
0x81: {  	v3 =	vand.u32 $0x380, v3;
	v4 =	vor.u32 v6, v4  }
0x82: {  	v3 =	vor.u32 v3, v4;
	_ =	sdelay $0x2  }
0x83: {  	s16 =	simm.s32 $0x0  }
0x84: {  	s17 =	sand.u32 $0x7000, s16;
	s18 =	sand.u32 $0x380, s16  }
0x85: {  	s17 =	sor.u32 s18, s17;
	[tilespmem:v3+s9+$0x0] =	vst.idx.msk vm0, v2  }
0x86: {  	[hbm4b:s3+s10] =	stream.strided.scatter [tilespmem:s9], [sflag:$0x1], $0x5000, s11, s10, $0x38;
	[tilespmem:$0xA200] =	vst v63  }
0x87: {  	[tilespmem:s17+$0x5E70] =	vst v0  }
0x88: {  	[tilespmem:s17+$0x5200] =	vst v0  }
0x89: {  	[tilespmem:s17+$0x5210] =	vst v0  }
0x8a: {  	[tilespmem:s17+$0x5220] =	vst v0  }
0x8b: {  	[tilespmem:s17+$0x5230] =	vst v0  }
0x8c: {  	[tilespmem:s17+$0x5240] =	vst v0  }
0x8d: {  	[tilespmem:s17+$0x5250] =	vst v0  }
0x8e: {  	[tilespmem:s17+$0x5260] =	vst v0  }
0x8f: {  	[tilespmem:s17+$0x5270] =	vst v0  }
0x90: {  	[tilespmem:s17+$0x5600] =	vst v0  }
0x91: {  	[tilespmem:s17+$0x5610] =	vst v0  }
0x92: {  	[tilespmem:s17+$0x5620] =	vst v0  }
0x93: {  	[tilespmem:s17+$0x5630] =	vst v0  }
0x94: {  	[tilespmem:s17+$0x5640] =	vst v0  }
0x95: {  	[tilespmem:s17+$0x5650] =	vst v0  }
0x96: {  	[tilespmem:s17+$0x5660] =	vst v0  }
0x97: {  	[tilespmem:s17+$0x5670] =	vst v0  }
0x98: {  	[tilespmem:s17+$0x5A00] =	vst v0  }
0x99: {  	[tilespmem:s17+$0x5A10] =	vst v0  }
0x9a: {  	[tilespmem:s17+$0x5A20] =	vst v0  }
0x9b: {  	[tilespmem:s17+$0x5A30] =	vst v0  }
0x9c: {  	[tilespmem:s17+$0x5A40] =	vst v0  }
0x9d: {  	[tilespmem:s17+$0x5A50] =	vst v0  }
0x9e: {  	[tilespmem:s17+$0x5A60] =	vst v0  }
0x9f: {  	[tilespmem:s17+$0x5A70] =	vst v0  }
0xa0: {  	[tilespmem:s17+$0x5E00] =	vst v0  }
0xa1: {  	[tilespmem:s17+$0x5E10] =	vst v0  }
0xa2: {  	[tilespmem:s17+$0x5E20] =	vst v0  }
0xa3: {  	[tilespmem:s17+$0x5E30] =	vst v0  }
0xa4: {  	s19 =	simm.s32 $0x200;
	s18 =	simm.s32 $0x80;
	[tilespmem:s17+$0x5E40] =	vst v0  }
0xa5: {  	s20 =	sand.u32 $0x7000, s19;
	s19 =	simm.s32 $0x400;
	s21 =	sand.u32 $0x380, s18;
	[tilespmem:s17+$0x5E50] =	vst v0  }
.LBB2_6:
0xa6: {  	p0 =	sne.s32 s19, $0x4E00;
	[tilespmem:s17+$0x5E60] =	vst v0;
	s17 =	sor.u32 s21, s20  }
0xa7: {  	[tilespmem:s17+$0x5E70] =	vst v0  }
0xa8: {  	[tilespmem:s17+$0x5200] =	vst v0  }
0xa9: {  	[tilespmem:s17+$0x5210] =	vst v0  }
0xaa: {  	[tilespmem:s17+$0x5220] =	vst v0  }
0xab: {  	[tilespmem:s17+$0x5230] =	vst v0  }
0xac: {  	[tilespmem:s17+$0x5240] =	vst v0  }
0xad: {  	[tilespmem:s17+$0x5250] =	vst v0  }
0xae: {  	[tilespmem:s17+$0x5260] =	vst v0  }
0xaf: {  	[tilespmem:s17+$0x5270] =	vst v0  }
0xb0: {  	[tilespmem:s17+$0x5600] =	vst v0  }
0xb1: {  	[tilespmem:s17+$0x5610] =	vst v0  }
0xb2: {  	[tilespmem:s17+$0x5620] =	vst v0  }
0xb3: {  	[tilespmem:s17+$0x5630] =	vst v0  }
0xb4: {  	[tilespmem:s17+$0x5640] =	vst v0  }
0xb5: {  	[tilespmem:s17+$0x5650] =	vst v0  }
0xb6: {  	[tilespmem:s17+$0x5660] =	vst v0  }
0xb7: {  	[tilespmem:s17+$0x5670] =	vst v0  }
0xb8: {  	[tilespmem:s17+$0x5A00] =	vst v0  }
0xb9: {  	[tilespmem:s17+$0x5A10] =	vst v0  }
0xba: {  	[tilespmem:s17+$0x5A20] =	vst v0  }
0xbb: {  	[tilespmem:s17+$0x5A30] =	vst v0  }
0xbc: {  	[tilespmem:s17+$0x5A40] =	vst v0  }
0xbd: {  	[tilespmem:s17+$0x5A50] =	vst v0  }
0xbe: {  	[tilespmem:s17+$0x5A60] =	vst v0  }
0xbf: {  	[tilespmem:s17+$0x5A70] =	vst v0  }
0xc0: {  	[tilespmem:s17+$0x5E00] =	vst v0  }
.Ltmp2:
0xc1: {  	[tilespmem:s17+$0x5E10] =	vst v0;
	(pc) =	sbr.rel @p0 .LBB2_6-.Ltmp2, $4  }
0xc2: {  	[tilespmem:s17+$0x5E20] =	vst v0  }
0xc3: {  	[tilespmem:s17+$0x5E30] =	vst v0  }
0xc4: {  	s18 =	sadd.s32 $0x80, s18;
	[tilespmem:s17+$0x5E40] =	vst v0  }
0xc5: {  	s20 =	sand.u32 $0x7000, s19;
	s19 =	sadd.s32 $0x200, s19;
	s21 =	sand.u32 $0x380, s18;
	[tilespmem:s17+$0x5E50] =	vst v0  }
0xc6: {  	s18 =	sor.u32 s21, s20;
	[tilespmem:s17+$0x5E60] =	vst v0  }
0xc7: {  	[tilespmem:s18+$0x5E70] =	vst v0  }
0xc8: {  	[tilespmem:s18+$0x5200] =	vst v0  }
0xc9: {  	[tilespmem:s18+$0x5210] =	vst v0  }
0xca: {  	[tilespmem:s18+$0x5220] =	vst v0  }
0xcb: {  	[tilespmem:s18+$0x5230] =	vst v0  }
0xcc: {  	[tilespmem:s18+$0x5240] =	vst v0  }
0xcd: {  	[tilespmem:s18+$0x5250] =	vst v0  }
0xce: {  	[tilespmem:s18+$0x5260] =	vst v0  }
0xcf: {  	[tilespmem:s18+$0x5270] =	vst v0  }
0xd0: {  	[tilespmem:s18+$0x5600] =	vst v0  }
0xd1: {  	[tilespmem:s18+$0x5610] =	vst v0  }
0xd2: {  	[tilespmem:s18+$0x5620] =	vst v0  }
0xd3: {  	[tilespmem:s18+$0x5630] =	vst v0  }
0xd4: {  	[tilespmem:s18+$0x5640] =	vst v0  }
0xd5: {  	[tilespmem:s18+$0x5650] =	vst v0  }
0xd6: {  	[tilespmem:s18+$0x5660] =	vst v0  }
0xd7: {  	[tilespmem:s18+$0x5670] =	vst v0  }
0xd8: {  	[tilespmem:s18+$0x5A00] =	vst v0  }
0xd9: {  	[tilespmem:s18+$0x5A10] =	vst v0  }
0xda: {  	[tilespmem:s18+$0x5A20] =	vst v0  }
0xdb: {  	[tilespmem:s18+$0x5A30] =	vst v0  }
0xdc: {  	[tilespmem:s18+$0x5A40] =	vst v0  }
0xdd: {  	[tilespmem:s18+$0x5A50] =	vst v0  }
0xde: {  	[tilespmem:s18+$0x5A60] =	vst v0  }
0xdf: {  	[tilespmem:s18+$0x5A70] =	vst v0  }
0xe0: {  	[tilespmem:s18+$0x5E00] =	vst v0  }
0xe1: {  	[tilespmem:s18+$0x5E10] =	vst v0  }
0xe2: {  	[tilespmem:s18+$0x5E20] =	vst v0  }
0xe3: {  	[tilespmem:s18+$0x5E30] =	vst v0  }
0xe4: {  	[tilespmem:s18+$0x5E40] =	vst v0  }
0xe5: {  	[tilespmem:s18+$0x5E50] =	vst v0  }
0xe6: {  	[tilespmem:s18+$0x5E60] =	vst v0  }
0xe7: {  	s17 =	simm.s32 $0x10;
	s18 =	simm.s32 $0x0;
	v3 =	vld [tilespmem:s16+$0x0]  }
.LBB2_8:
0xe8: {  	p0 =	sne.s32 s17, $0x1F0;
	_ =	sdelay $0x3  }
0xe9: {  	v3 =	vadd.s32 $0xFFFFFFD8, v3  }
0xea: {  	v4 =	vmov s16;
	vm0 =	vlt.u32 v3, $0x28  }
0xeb: {  	v5 =	vor.u32 s16, v1;
	s16 =	smov.u32 s17;
	v4 =	vshll.u32 v4, $0x3;
	v3 =	vnsel vm0, $0x0, v3  }
0xec: {  	v5 =	vand.u32 $0x7F, v5;
	v4 =	vand.u32 $0xC00, v4;
	v6 =	vshll.u32 v3, $0x9  }
0xed: {  	v4 =	vor.u32 v4, v5;
	v3 =	vshll.u32 v3, $0x7;
	v6 =	vand.u32 $0xFFFFF000, v6  }
0xee: {  	v3 =	vand.u32 $0x380, v3;
	v4 =	vor.u32 v6, v4  }
0xef: {  	v3 =	vor.u32 v3, v4;
	_ =	sdelay $0x1  }
.Ltmp3:
0xf0: {  	(pc) =	sbr.rel @p0 .LBB2_8-.Ltmp3, $3  }
0xf1: {  	_ =	sdelay $0x1  }
0xf2: {  	s18 =	sadd.s32 $0x10, s18;
	[tilespmem:v3+s12+$0x0] =	vst.idx.msk vm0, v2  }
0xf3: {  	s17 =	sadd.s32 $0x10, s17;
	v3 =	vld [tilespmem:s18+$0x0]  }
0xf4: {  	_ =	sdelay $0x3  }
0xf5: {  	v3 =	vadd.s32 $0xFFFFFFD8, v3  }
0xf6: {  	v4 =	vmov s16;
	vm0 =	vlt.u32 v3, $0x28  }
0xf7: {  	v5 =	vor.u32 s16, v1;
	v4 =	vshll.u32 v4, $0x3;
	v3 =	vnsel vm0, $0x0, v3  }
0xf8: {  	v5 =	vand.u32 $0x7F, v5;
	v4 =	vand.u32 $0xC00, v4;
	v6 =	vshll.u32 v3, $0x9  }
0xf9: {  	v4 =	vor.u32 v4, v5;
	v3 =	vshll.u32 v3, $0x7;
	v6 =	vand.u32 $0xFFFFF000, v6  }
0xfa: {  	v3 =	vand.u32 $0x380, v3;
	v4 =	vor.u32 v6, v4  }
0xfb: {  	v3 =	vor.u32 v3, v4;
	_ =	sdelay $0x4  }
0xfc: {  	s16 =	simm.s32 $0x0;
	s17 =	simm.s32 $0x0;
	[tilespmem:v3+s12+$0x0] =	vst.idx.msk vm0, v2  }
0xfd: {  	[hbm4b:s5+s10] =	stream.strided.scatter [tilespmem:s12], [sflag:$0x2], $0x5000, s11, s10, $0x38;
	[tilespmem:$0xA200] =	vst v63  }
.LBB2_10:
0xfe: {  	_ =	swait.ge [sflag:s13], $0x5000  }
0xff: {  	[sflag:s13] =	ssyncset.done $0x0  }
0x100: {  	[sflag:s13] =	ssyncadd.s32 $0xFFFFB000  }
0x101: {  	v7 =	vld [tilespmem:s16+$0x0]  }
0x102: {  	s19 =	smul.u32 $0x50, s17;
	_ =	sdelay $0x1  }
0x103: {  	s21 =	sadd.s32 $0x28, s19  }
0x104: {  	v8 =	vmov s16;
	s20 =	sadd.s32 $0x50, s19;
	s18 =	sadd.s32 $0x78, s19;
	v6 =	vmov s19;
	v3 =	vmov s21  }
0x105: {  	v4 =	vmov s20;
	v5 =	vmov s18;
	vm0 =	vge.s32 v7, v6  }
0x106: {  	vm1 =	vlt.s32 v7, v3;
	v9 =	vsub.s32 v7, v4;
	v10 =	vsub.s32 v7, v6  }
0x107: {  	vm2 =	vge.s32 v7, v4;
	vm0 =	vmand vm0, vm1;
	vm1 =	vlt.s32 v7, v5  }
0x108: {  	v7 =	vshll.u32 v8, $0x3;
	v10 =	vnsel vm0, $0x0, v10;
	vm1 =	vmand vm2, vm1  }
0x109: {  	v7 =	vand.u32 $0xC00, v7;
	v8 =	vshll.u32 v10, $0x9;
	v10 =	vshll.u32 v10, $0x7  }
0x10a: {  	v9 =	vnsel vm1, $0x0, v9;
	v8 =	vand.u32 $0xFFFFF000, v8;
	v10 =	vand.u32 $0x380, v10  }
0x10b: {  	v11 =	vshll.u32 v9, $0x9;
	v9 =	vshll.u32 v9, $0x7;
	v8 =	vor.u32 v8, v10  }
0x10c: {  	v10 =	vand.u32 $0xFFFFF000, v11;
	v9 =	vand.u32 $0x380, v9;
	v11 =	vor.u32 s16, v1  }
0x10d: {  	v9 =	vor.u32 v10, v9;
	v10 =	vand.u32 $0x7F, v11;
	v8 =	vor.u32 v7, v8  }
0x10e: {  	v7 =	vor.u32 v7, v9;
	v8 =	vor.u32 v10, v8  }
0x10f: {  	s22 =	simm.s32 $0x0;
	s21 =	simm.s32 $0x10;
	v7 =	vor.u32 v10, v7  }
.LBB2_11:
0x110: {  	_ =	sdelay $0x1  }
0x111: {  	p0 =	sne.s32 s21, $0x1F0  }
0x112: {  	[tilespmem:v8+s9+$0x0] =	vst.idx.msk vm0, v0;
	s22 =	sadd.s32 $0x10, s22;
	s23 =	smov.u32 s21;
	s21 =	sadd.s32 $0x10, s21  }
0x113: {  	[tilespmem:v7+s9+$0x0] =	vst.idx.msk vm1, v2  }
0x114: {  	v7 =	vld [tilespmem:s22+$0x0];
	_ =	sdelay $0x3  }
0x115: {  	v8 =	vmov s23;
	v9 =	vor.u32 s23, v1  }
0x116: {  	vm0 =	vge.s32 v7, v6;
	vm1 =	vlt.s32 v7, v3;
	v10 =	vsub.s32 v7, v4  }
0x117: {  	v11 =	vsub.s32 v7, v6;
	vm0 =	vmand vm0, vm1;
	vm1 =	vlt.s32 v7, v5  }
0x118: {  	v8 =	vshll.u32 v8, $0x3;
	vm2 =	vge.s32 v7, v4;
	v11 =	vnsel vm0, $0x0, v11  }
0x119: {  	vm1 =	vmand vm2, vm1;
	v7 =	vshll.u32 v11, $0x9;
	v11 =	vshll.u32 v11, $0x7  }
0x11a: {  	v10 =	vnsel vm1, $0x0, v10;
	v7 =	vand.u32 $0xFFFFF000, v7;
	v11 =	vand.u32 $0x380, v11  }
.Ltmp4:
0x11b: {  	v7 =	vor.u32 v7, v11;
	v11 =	vshll.u32 v10, $0x9;
	v10 =	vshll.u32 v10, $0x7;
	(pc) =	sbr.rel @p0 .LBB2_11-.Ltmp4, $4  }
0x11c: {  	v12 =	vand.u32 $0xC00, v8;
	v8 =	vand.u32 $0xFFFFF000, v11;
	v10 =	vand.u32 $0x380, v10  }
0x11d: {  	v9 =	vand.u32 $0x7F, v9;
	v7 =	vor.u32 v12, v7;
	v10 =	vor.u32 v8, v10  }
0x11e: {  	v8 =	vor.u32 v9, v7;
	v7 =	vor.u32 v12, v10  }
0x11f: {  	v7 =	vor.u32 v9, v7  }
0x120: {  	_ =	sdelay $0x4  }
0x121: {  	[tilespmem:v8+s9+$0x0] =	vst.idx.msk vm0, v0;
	s20 =	sshll.u32 s20, $0xB  }
0x122: {  	[tilespmem:v7+s9+$0x0] =	vst.idx.msk vm1, v2;
	s20 =	sadd.s32 s20, s3  }
0x123: {  	[hbm4b:s20+s10] =	stream.strided.scatter [tilespmem:s9], [sflag:$0x1], $0x5000, s11, s10, $0x38;
	[tilespmem:$0xA200] =	vst v63  }
0x124: {  	_ =	swait.ge [sflag:s14], $0x5000  }
0x125: {  	[sflag:s14] =	ssyncset.done $0x0  }
0x126: {  	s20 =	simm.s32 $0x0;
	[sflag:s14] =	ssyncadd.s32 $0xFFFFB000  }
0x127: {  	v7 =	vld [tilespmem:s20+$0x0];
	_ =	sdelay $0x3  }
0x128: {  	s19 =	sadd.s32 $0xA0, s19  }
0x129: {  	v6 =	vmov s19;
	v8 =	vmov s20;
	vm0 =	vge.s32 v7, v3  }
0x12a: {  	vm1 =	vlt.s32 v7, v4;
	v9 =	vsub.s32 v7, v5;
	v10 =	vsub.s32 v7, v3  }
0x12b: {  	vm2 =	vge.s32 v7, v5;
	vm0 =	vmand vm0, vm1;
	vm1 =	vlt.s32 v7, v6  }
0x12c: {  	v7 =	vshll.u32 v8, $0x3;
	v10 =	vnsel vm0, $0x0, v10;
	vm1 =	vmand vm2, vm1  }
0x12d: {  	v7 =	vand.u32 $0xC00, v7;
	v8 =	vshll.u32 v10, $0x9;
	v10 =	vshll.u32 v10, $0x7  }
0x12e: {  	v9 =	vnsel vm1, $0x0, v9;
	v8 =	vand.u32 $0xFFFFF000, v8;
	v10 =	vand.u32 $0x380, v10  }
0x12f: {  	v11 =	vshll.u32 v9, $0x9;
	v9 =	vshll.u32 v9, $0x7;
	v8 =	vor.u32 v8, v10  }
0x130: {  	v10 =	vand.u32 $0xFFFFF000, v11;
	v9 =	vand.u32 $0x380, v9;
	v11 =	vor.u32 s20, v1  }
0x131: {  	v9 =	vor.u32 v10, v9;
	v10 =	vand.u32 $0x7F, v11;
	v8 =	vor.u32 v7, v8  }
0x132: {  	v7 =	vor.u32 v7, v9;
	v8 =	vor.u32 v10, v8  }
0x133: {  	s19 =	simm.s32 $0x10;
	v7 =	vor.u32 v10, v7  }
.LBB2_13:
0x134: {  	_ =	sdelay $0x1  }
0x135: {  	p0 =	sne.s32 s19, $0x1F0  }
0x136: {  	[tilespmem:v8+s12+$0x0] =	vst.idx.msk vm0, v0;
	s20 =	sadd.s32 $0x10, s20;
	s21 =	smov.u32 s19;
	s19 =	sadd.s32 $0x10, s19  }
0x137: {  	[tilespmem:v7+s12+$0x0] =	vst.idx.msk vm1, v2  }
0x138: {  	v7 =	vld [tilespmem:s20+$0x0];
	_ =	sdelay $0x3  }
0x139: {  	v8 =	vmov s21;
	v9 =	vor.u32 s21, v1  }
0x13a: {  	vm0 =	vge.s32 v7, v3;
	vm1 =	vlt.s32 v7, v4;
	v10 =	vsub.s32 v7, v5  }
0x13b: {  	v11 =	vsub.s32 v7, v3;
	vm0 =	vmand vm0, vm1;
	vm1 =	vlt.s32 v7, v6  }
0x13c: {  	v8 =	vshll.u32 v8, $0x3;
	vm2 =	vge.s32 v7, v5;
	v11 =	vnsel vm0, $0x0, v11  }
0x13d: {  	vm1 =	vmand vm2, vm1;
	v7 =	vshll.u32 v11, $0x9;
	v11 =	vshll.u32 v11, $0x7  }
0x13e: {  	v10 =	vnsel vm1, $0x0, v10;
	v7 =	vand.u32 $0xFFFFF000, v7;
	v11 =	vand.u32 $0x380, v11  }
.Ltmp5:
0x13f: {  	v7 =	vor.u32 v7, v11;
	v11 =	vshll.u32 v10, $0x9;
	v10 =	vshll.u32 v10, $0x7;
	(pc) =	sbr.rel @p0 .LBB2_13-.Ltmp5, $4  }
0x140: {  	v12 =	vand.u32 $0xC00, v8;
	v8 =	vand.u32 $0xFFFFF000, v11;
	v10 =	vand.u32 $0x380, v10  }
0x141: {  	v9 =	vand.u32 $0x7F, v9;
	v7 =	vor.u32 v12, v7;
	v10 =	vor.u32 v8, v10  }
0x142: {  	v8 =	vor.u32 v9, v7;
	v7 =	vor.u32 v12, v10  }
0x143: {  	v7 =	vor.u32 v9, v7  }
0x144: {  	_ = 	snop  }
0x145: {  	s17 =	sadd.s32 $0x1, s17  }
0x146: {  	p0 =	sne.s32 s17, $0xB  }
.Ltmp6:
0x147: {  	_ = 	snop;
	(pc) =	sbr.rel @p0 .LBB2_10-.Ltmp6, $4  }
0x148: {  	_ = 	snop  }
0x149: {  	[tilespmem:v8+s12+$0x0] =	vst.idx.msk vm0, v0;
	s18 =	sshll.u32 s18, $0xB  }
0x14a: {  	[tilespmem:v7+s12+$0x0] =	vst.idx.msk vm1, v2;
	s18 =	sadd.s32 s18, s3  }
0x14b: {  	[hbm4b:s18+s10] =	stream.strided.scatter [tilespmem:s12], [sflag:$0x2], $0x5000, s11, s10, $0x38;
	[tilespmem:$0xA200] =	vst v63  }
0x14c: {  	_ =	swait.ge [sflag:s13], $0x5000  }
0x14d: {  	[sflag:s13] =	ssyncset.done $0x0  }
0x14e: {  	s16 =	simm.s32 $0x0;
	[sflag:s13] =	ssyncadd.s32 $0xFFFFB000  }
0x14f: {  	v3 =	vld [tilespmem:s16+$0x0]  }
0x150: {  	s17 =	simm.s32 $0x10;
	s18 =	simm.s32 $0x0  }
.LBB2_16:
0x151: {  	p0 =	sne.s32 s17, $0x1F0;
	_ =	sdelay $0x1  }
0x152: {  	v4 =	vor.u32 s16, v1  }
0x153: {  	v5 =	vmov s16;
	s16 =	smov.u32 s17;
	v6 =	vadd.s32 $0xFFFFFC90, v3;
	v3 =	vadd.s32 $0xFFFFFC40, v3  }
0x154: {  	v5 =	vshll.u32 v5, $0x3;
	vm0 =	vlt.u32 v6, $0x28;
	vm1 =	vlt.u32 v3, $0x28  }
0x155: {  	v5 =	vand.u32 $0xC00, v5;
	v6 =	vnsel vm0, $0x0, v6;
	v3 =	vnsel vm1, $0x0, v3  }
0x156: {  	v7 =	vshll.u32 v6, $0x9;
	v6 =	vshll.u32 v6, $0x7;
	v8 =	vshll.u32 v3, $0x9  }
0x157: {  	v3 =	vshll.u32 v3, $0x7;
	v7 =	vand.u32 $0xFFFFF000, v7;
	v6 =	vand.u32 $0x380, v6  }
0x158: {  	v3 =	vand.u32 $0x380, v3;
	v6 =	vor.u32 v7, v6;
	v7 =	vand.u32 $0xFFFFF000, v8  }
0x159: {  	v4 =	vand.u32 $0x7F, v4;
	v6 =	vor.u32 v5, v6;
	v3 =	vor.u32 v7, v3  }
0x15a: {  	v6 =	vor.u32 v4, v6;
	v3 =	vor.u32 v5, v3  }
0x15b: {  	v3 =	vor.u32 v4, v3;
	_ =	sdelay $0x2  }
.Ltmp7:
0x15c: {  	(pc) =	sbr.rel @p0 .LBB2_16-.Ltmp7, $4  }
0x15d: {  	[tilespmem:v6+s9+$0x0] =	vst.idx.msk vm0, v0  }
0x15e: {  	s18 =	sadd.s32 $0x10, s18;
	[tilespmem:v3+s9+$0x0] =	vst.idx.msk vm1, v2  }
0x15f: {  	v3 =	vld [tilespmem:s18+$0x0]  }
0x160: {  	s17 =	sadd.s32 $0x10, s17  }
0x161: {  	_ =	sdelay $0x1  }
0x162: {  	v4 =	vor.u32 s16, v1  }
0x163: {  	v5 =	vmov s16;
	v6 =	vadd.s32 $0xFFFFFC90, v3;
	v3 =	vadd.s32 $0xFFFFFC40, v3  }
0x164: {  	v5 =	vshll.u32 v5, $0x3;
	vm0 =	vlt.u32 v6, $0x28;
	vm1 =	vlt.u32 v3, $0x28  }
0x165: {  	v5 =	vand.u32 $0xC00, v5;
	v6 =	vnsel vm0, $0x0, v6;
	v3 =	vnsel vm1, $0x0, v3  }
0x166: {  	v7 =	vshll.u32 v6, $0x9;
	v6 =	vshll.u32 v6, $0x7;
	v8 =	vshll.u32 v3, $0x9  }
0x167: {  	v3 =	vshll.u32 v3, $0x7;
	v7 =	vand.u32 $0xFFFFF000, v7;
	v6 =	vand.u32 $0x380, v6  }
0x168: {  	v63 =	vand.u32 $0xFFFFF000, v8;
	v3 =	vand.u32 $0x380, v3;
	v6 =	vor.u32 v7, v6  }
0x169: {  	v4 =	vand.u32 $0x7F, v4;
	v3 =	vor.u32 v63, v3;
	v6 =	vor.u32 v5, v6  }
0x16a: {  	v3 =	vor.u32 v5, v3;
	v6 =	vor.u32 v4, v6  }
0x16b: {  	v3 =	vor.u32 v4, v3;
	_ =	sdelay $0x3  }
0x16c: {  	[tilespmem:v6+s9+$0x0] =	vst.idx.msk vm0, v0  }
0x16d: {  	s15 =	sadd.s32 $0x1, s15;
	[tilespmem:v3+s9+$0x0] =	vst.idx.msk vm1, v2  }
0x16e: {  	[hbm4b:s6+s10] =	stream.strided.scatter [tilespmem:s9], [sflag:$0x1], $0x5000, s11, s10, $0x38;
	[tilespmem:$0xA200] =	vst v63  }
0x16f: {  	p0 =	sne.s32 s15, s7;
	_ =	swait.ge [sflag:s14], $0x5000  }
.Ltmp8:
0x170: {  	[sflag:s14] =	ssyncset.done $0x0;
	(pc) =	sbr.rel @p0 .LBB2_1-.Ltmp8, $4  }
0x171: {  	[sflag:s14] =	ssyncadd.s32 $0xFFFFB000  }
0x172: {  	_ =	swait.ge [sflag:s13], $0x5000  }
0x173: {  	[sflag:s13] =	ssyncset.done $0x0  }
0x174: {  	[sflag:s13] =	ssyncadd.s32 $0xFFFFB000  }
0x175: {  	_ =	sfence.sel $0x180000  }
0x176: {  	[bflag:$0x0] =	sbarrier.arrive $0xFFFF  }
0x177: {  	p0 =	sne.s32 s1, $0x0;
	_ =	strace $0x90000047  }
0x178: {  	s0 =	sadd.s32 @!p0 $0x100000, s0;
	[bflag:$0x2] =	sbarrier.arrive $0xFFFF  }
0x179: {  	[sflag:s0] =	ssyncadd.tile.s32 @!p0 $0x1;
	_ =	shalt  }
.Lfunc_end2:
_tile_overlayer_lowered:
.L_overlay_start_2:
0x17a: {  	(tag) =	ssettag $0x2  }
0x17b: {  	s0 =	rddreg [dreg:$0x0];
	s2 =	stileid.u32  }
0x17c: {  	s1 =	rddreg [dreg:$0x1];
	p0 =	sne.s32 s2, $0x0  }
0x17d: {  	s3 =	rddreg [dreg:$0x2];
	[bflag:$0x3] =	sbarrier.arrive $0xFFFF;
	s2 =	simm.s32 @!p0 $0x1C03  }
0x17e: {  	[timem:s3], [sflag:s2] =	dma.local @!p0 [hbm:s0], s1  }
0x17f: {  	s0 =	simm.s32 @!p0 $0x3  }
0x180: {  	_ =	swait.ge @!p0 [sflag:s0], s1  }
0x181: {  	s1 =	ssub.s32 @!p0 $0x0, s1;
	[sflag:s0] =	ssyncset.done @!p0 $0x0  }
0x182: {  	[sflag:s0] =	ssyncadd.s32 @!p0 s1  }
0x183: {  	[bflag:$0x3] =	sbarrier.arrive $0xFFFF  }
0x184: {  	_ =	shalt  }

</sc_bundles>
